<compile_context>
chip_gen: v7x
topology: tpu7x:2x2x1
jax: 0.10.2.dev20260603
libtpu: 0.0.44.dev20260713+nightly
codegen_flags: <defaults>
</compile_context>

<pallas_src>
import functools

import jax
import jax.numpy as jnp
from jax import lax
from jax.experimental import pallas as pl
from jax.experimental.pallas import tpu as pltpu
from jax.experimental.pallas import tpu_sc as plsc

_NC = 2
_NS = 16
_NW = _NC * _NS
_CH = 80
_LANES = 128


@functools.lru_cache(maxsize=None)
def _make_agg(n_pad: int, n_edges: int, with_counts: bool):
    ept = n_edges // _NW
    nch = ept // _CH
    ncr = n_pad // _LANES
    n_acc = n_pad + (_LANES if with_counts else 0)
    rpt = n_acc // _NS
    mesh = plsc.VectorSubcoreMesh(core_axis_name="c", subcore_axis_name="s")

    assert nch % 2 == 1

    scratch = [
        pltpu.VMEM((_CH,), jnp.int32),
        pltpu.VMEM((_CH,), jnp.int32),
        pltpu.VMEM((nch, _CH), jnp.int32),
        pltpu.VMEM((_CH, _LANES), jnp.float32),
        pltpu.VMEM((_CH, _LANES), jnp.float32),
        pltpu.VMEM_SHARED((n_acc, _LANES), jnp.float32),
        pltpu.SemaphoreType.DMA,
        pltpu.SemaphoreType.DMA,
        pltpu.SemaphoreType.DMA,
        pltpu.SemaphoreType.DMA,
        pltpu.SemaphoreType.DMA,
        pltpu.SemaphoreType.DMA,
        pltpu.SemaphoreType.DMA,
    ]
    if with_counts:
        scratch += [
            pltpu.VMEM((ncr, _LANES), jnp.float32),
            pltpu.VMEM((ncr,), jnp.int32),
        ]

    @functools.partial(
        pl.kernel,
        mesh=mesh,
        compiler_params=pltpu.CompilerParams(needs_layout_passes=False),
        out_type=jax.ShapeDtypeStruct((_NC, n_acc, _LANES), jnp.float32),
        scratch_types=scratch,
    )
    def agg(x_hbm, src_hbm, dst_hbm, zeros_hbm, out_hbm,
            srcb_a, srcb_b, dst_v, rows_a, rows_b, acc_sh,
            gsem_a, gsem_b, ssem_a, ssem_b, isem_a, isem_b, zsem, *extra):
        c = lax.axis_index("c")
        s = lax.axis_index("s")
        wid = s * _NC + c
        zero = pltpu.async_copy(
            zeros_hbm, acc_sh.at[pl.ds(s * rpt, rpt)], zsem)
        pltpu.sync_copy(dst_hbm.at[wid], dst_v)
        if with_counts:
            hist_v, cidx_v = extra
            pltpu.sync_copy(zeros_hbm.at[pl.ds(0, ncr)], hist_v)
            for k in range(ncr // 16):
                cidx_v[pl.ds(16 * k, 16)] = (
                    n_pad + 16 * k + lax.iota(jnp.int32, 16))

        ones16 = jnp.ones((16,), jnp.float32)
        buf_a = (srcb_a, rows_a, gsem_a, ssem_a, isem_a)
        buf_b = (srcb_b, rows_b, gsem_b, ssem_b, isem_b)

        def hist_add(j):
            if with_counts:
                for k in range(_CH // 16):
                    d16 = dst_v[j, pl.ds(16 * k, 16)]
                    plsc.addupdate_scatter(
                        hist_v,
                        [jnp.right_shift(d16, 7), jnp.bitwise_and(d16, 127)],
                        ones16)

        def handle(j, me, ot):
            srcb_me, rows_me, gsem_me, ssem_me, isem_me = me
            srcb_ot, rows_ot, gsem_ot, ssem_ot, isem_ot = ot

            @pl.when(j > 0)
            def _():
                pltpu.make_async_copy(
                    rows_ot, acc_sh.at[dst_v.at[j - 1]], ssem_ot).wait()

            pltpu.make_async_copy(
                src_hbm.at[wid, j + 1], srcb_ot, isem_ot).wait()
            pltpu.async_copy(x_hbm.at[srcb_ot], rows_ot, gsem_ot)
            hist_add(j)
            pltpu.make_async_copy(x_hbm.at[srcb_me], rows_me, gsem_me).wait()

            @pl.when(j + 2 < nch)
            def _():
                pltpu.async_copy(src_hbm.at[wid, j + 2], srcb_me, isem_me)

            pltpu.async_copy(rows_me, acc_sh.at[dst_v.at[j]], ssem_me,
                             add=True)

        pltpu.sync_copy(src_hbm.at[wid, 0], srcb_a)
        pltpu.async_copy(x_hbm.at[srcb_a], rows_a, gsem_a)
        pltpu.async_copy(src_hbm.at[wid, 1], srcb_b, isem_b)
        zero.wait()
        plsc.subcore_barrier()

        def pair(i, carry):
            j0 = 2 * i
            handle(j0, buf_a, buf_b)
            handle(j0 + 1, buf_b, buf_a)
            return carry

        lax.fori_loop(0, (nch - 1) // 2, pair, 0)

        jt = nch - 1
        pltpu.make_async_copy(
            rows_b, acc_sh.at[dst_v.at[jt - 1]], ssem_b).wait()
        pltpu.make_async_copy(x_hbm.at[srcb_a], rows_a, gsem_a).wait()
        pltpu.sync_copy(rows_a, acc_sh.at[dst_v.at[jt]], add=True)
        hist_add(jt)

        if with_counts:
            pltpu.sync_copy(hist_v, acc_sh.at[cidx_v], add=True)
        plsc.subcore_barrier()
        pltpu.sync_copy(acc_sh.at[pl.ds(s * rpt, rpt)],
                        out_hbm.at[c, pl.ds(s * rpt, rpt)])

    return agg


def _layer1_block(ps_ref, pc_ref, x_ref, wl_ref, b_ref, wr_ref,
                  h_ref, invc_ref):
    blk = ps_ref.shape[1]
    nr = blk // _LANES
    cnt = pc_ref[0] + pc_ref[1]
    invc = 1.0 / jnp.maximum(cnt, 1.0)
    summed = (ps_ref[0] + ps_ref[1]).reshape(nr, _LANES, _LANES)
    mean = (summed * invc[:, :, None]).reshape(blk, _LANES)
    h = (jnp.dot(mean, wl_ref[...], preferred_element_type=jnp.float32)
         + b_ref[...]
         + jnp.dot(x_ref[...], wr_ref[...], preferred_element_type=jnp.float32))
    h_ref[...] = jnp.maximum(h, 0.0)
    invc_ref[...] = invc


def _layer2_block(ps_ref, invc_ref, h_ref, wl_ref, b_ref, wr_ref, o_ref):
    blk = ps_ref.shape[1]
    nr = blk // _LANES
    summed = (ps_ref[0] + ps_ref[1]).reshape(nr, _LANES, _LANES)
    mean = (summed * invc_ref[...][:, :, None]).reshape(blk, _LANES)
    o = (jnp.dot(mean, wl_ref[...], preferred_element_type=jnp.float32)
         + b_ref[...]
         + jnp.dot(h_ref[...], wr_ref[...], preferred_element_type=jnp.float32))
    nrm = jnp.sqrt(jnp.sum(o * o, axis=1, keepdims=True))
    o = o / jnp.maximum(nrm, 1e-12)
    o_ref[...] = jnp.maximum(o, 0.0)


def _tc_layer1(p, x, wl, b, wr, n_pad, blk):
    nr = blk // _LANES
    return pl.pallas_call(
        _layer1_block,
        grid=(n_pad // blk,),
        in_specs=[
            pl.BlockSpec((2, blk, _LANES), lambda i: (0, i, 0)),
            pl.BlockSpec((2, nr, _LANES),
                         lambda i: (0, n_pad // nr + i, 0)),
            pl.BlockSpec((blk, _LANES), lambda i: (i, 0)),
            pl.BlockSpec((_LANES, _LANES), lambda i: (0, 0)),
            pl.BlockSpec((1, _LANES), lambda i: (0, 0)),
            pl.BlockSpec((_LANES, _LANES), lambda i: (0, 0)),
        ],
        out_specs=[
            pl.BlockSpec((blk, _LANES), lambda i: (i, 0)),
            pl.BlockSpec((nr, _LANES), lambda i: (i, 0)),
        ],
        out_shape=[
            jax.ShapeDtypeStruct((n_pad, _LANES), jnp.float32),
            jax.ShapeDtypeStruct((n_pad // _LANES, _LANES), jnp.float32),
        ],
    )(p, p, x, wl, b, wr)


def _tc_layer2(p2, invc, h, wl, b, wr, n_out, blk):
    nr = blk // _LANES
    grid = -(-n_out // blk)
    return pl.pallas_call(
        _layer2_block,
        grid=(grid,),
        in_specs=[
            pl.BlockSpec((2, blk, _LANES), lambda i: (0, i, 0)),
            pl.BlockSpec((nr, _LANES), lambda i: (i, 0)),
            pl.BlockSpec((blk, _LANES), lambda i: (i, 0)),
            pl.BlockSpec((_LANES, _LANES), lambda i: (0, 0)),
            pl.BlockSpec((1, _LANES), lambda i: (0, 0)),
            pl.BlockSpec((_LANES, _LANES), lambda i: (0, 0)),
        ],
        out_specs=pl.BlockSpec((blk, _LANES), lambda i: (i, 0)),
        out_shape=jax.ShapeDtypeStruct((n_out, _LANES), jnp.float32),
    )(p2, invc, h, wl, b, wr)


def kernel(matrix_nodes_features, edge_index, W1l, b1, W1r, W2l, b2, W2r):
    x = matrix_nodes_features
    n, d = x.shape
    e = edge_index.shape[1]
    n_pad = -(-n // 2048) * 2048
    blk = 2048

    src = edge_index[0].astype(jnp.int32)
    dst = edge_index[1].astype(jnp.int32)
    ept = e // _NW
    nch = ept // _CH
    src3 = src.reshape(_NW, nch, _CH)
    dst3 = dst.reshape(_NW, nch, _CH)

    n_acc1 = n_pad + _LANES
    z_cnt = jnp.zeros((n_acc1 // _NS, _LANES), jnp.float32)
    z_pln = jnp.zeros((n_pad // _NS, _LANES), jnp.float32)

    agg1 = _make_agg(n_pad, e, True)
    agg2 = _make_agg(n_pad, e, False)

    p1 = agg1(x, src3, dst3, z_cnt)
    h, invc = _tc_layer1(p1, x, W1l, b1.reshape(1, -1), W1r, n_pad, blk)
    p2 = agg2(h, src3, dst3, z_pln)
    return _tc_layer2(p2, invc, h, W2l, b2.reshape(1, -1), W2r, n, blk)

# --- scband reference (transcript-rebuilt; emitter-appended) ---
"""Pipeline reference for scband-graph-sage-local-6871947673826 (READ-ONLY COPY).

The authoritative reference and input builder live on the scoring server;
editing this copy changes nothing except your own understanding.
"""

import jax, jax.numpy as jnp
import numpy as np

N = 10000
E = 320000
D = 128
H = 128
O = 128


def setup_inputs(seed: int = 0) -> dict:
    key = jax.random.key(seed)
    ks = jax.random.split(key, 9)
    x = jax.random.normal(ks[0], (N, D), dtype=jnp.float32)
    edge_index = jax.random.randint(ks[1], (2, E), 0, N)
    W1l = jax.random.normal(ks[2], (D, H), dtype=jnp.float32) * 0.05
    b1 = jnp.zeros((H,), dtype=jnp.float32)
    W1r = jax.random.normal(ks[3], (D, H), dtype=jnp.float32) * 0.05
    W2l = jax.random.normal(ks[4], (H, O), dtype=jnp.float32) * 0.05
    b2 = jnp.zeros((O,), dtype=jnp.float32)
    W2r = jax.random.normal(ks[5], (H, O), dtype=jnp.float32) * 0.05
    return {"matrix_nodes_features": x, "edge_index": edge_index,
            "W1l": W1l, "b1": b1, "W1r": W1r,
            "W2l": W2l, "b2": b2, "W2r": W2r}


def _sage_conv(x, edge_index, Wl, b, Wr, normalize):
    # PyG SAGEConv (aggr='mean', project=False, root_weight=True):
    # out = lin_l(mean_{j in N(i)} x_j) + lin_r(x_i); optional L2 normalize.
    src = edge_index[0]
    dst = edge_index[1]
    num_nodes = x.shape[0]
    msg = jnp.take(x, src, axis=0)                                  # gather
    summed = jax.ops.segment_sum(msg, dst, num_segments=num_nodes)  # scatter-add
    cnt = jax.ops.segment_sum(jnp.ones((edge_index.shape[1],), x.dtype), dst,
                              num_segments=num_nodes)
    mean = summed / jnp.clip(cnt, 1.0)[:, None]
    out = mean @ Wl + b + x @ Wr
    if normalize:
        nrm = jnp.linalg.norm(out, ord=2, axis=-1, keepdims=True)
        out = out / jnp.maximum(nrm, 1e-12)
    return out


def reference(matrix_nodes_features, edge_index, W1l, b1, W1r, W2l, b2, W2r):
    # dropout p=0.0 and eval mode -> identity
    h = _sage_conv(matrix_nodes_features, edge_index, W1l, b1, W1r, False)
    h = jax.nn.relu(h)
    h = _sage_conv(h, edge_index, W2l, b2, W2r, True)
    h = jax.nn.relu(h)
    return h

if __name__ == "__main__":
    import jax
    _d = setup_inputs()
    print(jax.jit(kernel)(*tuple(_d.values())))

</pallas_src>

<mosaic_0001>
#map = affine_map<(d0, d1) -> (0, 0)>
#map1 = affine_map<(d0, d1) -> (0, 0, 0)>
module attributes {stable_mosaic.version = 14 : i64} {
  func.func @agg(%arg0: i32, %arg1: i32, %arg2: memref<10000x128xf32, #tpu.memory_space<hbm>>, %arg3: memref<32x125x80xi32, #tpu.memory_space<hbm>>, %arg4: memref<32x125x80xi32, #tpu.memory_space<hbm>>, %arg5: memref<648x128xf32, #tpu.memory_space<hbm>>, %arg6: memref<2x10368x128xf32, #tpu.memory_space<hbm>>, %arg7: memref<80xi32, #tpu.memory_space<vmem>>, %arg8: memref<80xi32, #tpu.memory_space<vmem>>, %arg9: memref<125x80xi32, #tpu.memory_space<vmem>>, %arg10: memref<80x128xf32, #tpu.memory_space<vmem>>, %arg11: memref<80x128xf32, #tpu.memory_space<vmem>>, %arg12: memref<10368x128xf32, #tpu.memory_space<vmem_shared>>, %arg13: memref<!tpu.dma_semaphore, #tpu.memory_space<semaphore_mem>>, %arg14: memref<!tpu.dma_semaphore, #tpu.memory_space<semaphore_mem>>, %arg15: memref<!tpu.dma_semaphore, #tpu.memory_space<semaphore_mem>>, %arg16: memref<!tpu.dma_semaphore, #tpu.memory_space<semaphore_mem>>, %arg17: memref<!tpu.dma_semaphore, #tpu.memory_space<semaphore_mem>>, %arg18: memref<!tpu.dma_semaphore, #tpu.memory_space<semaphore_mem>>, %arg19: memref<!tpu.dma_semaphore, #tpu.memory_space<semaphore_mem>>, %arg20: memref<80x128xf32, #tpu.memory_space<vmem>>, %arg21: memref<80xi32, #tpu.memory_space<vmem>>) attributes {dimension_semantics = [#tpu.dimension_semantics<core_parallel>, #tpu.dimension_semantics<subcore_parallel>], iteration_bounds = array<i64: 2, 16>, scalar_prefetch = 0 : i64, scratch_operands = 15 : i64, tpu.core_type = #tpu.core_type<sc_vector_subcore>, window_params = [{transform_indices = #map}, {transform_indices = #map1}, {transform_indices = #map1}, {transform_indices = #map}, {transform_indices = #map1}]} {
    %mul3A = arith.constant 2 : i32
    %mul3A_0 = arith.muli %arg1, %mul3A : i32
    %add3A = arith.addi %mul3A_0, %arg0 : i32
    %mul3A_1 = arith.constant 648 : i32
    %mul3A_2 = arith.muli %arg1, %mul3A_1 : i32
    %dma_start3A = arith.constant 0 : i32
    %dma_start3A_3 = tpu.memref_slice %arg12[%mul3A_2, %dma_start3A] : memref<10368x128xf32, #tpu.memory_space<vmem_shared>> -> memref<648x128xf32, #tpu.memory_space<vmem_shared>>
    tpu.enqueue_dma source(%arg5 : memref<648x128xf32, #tpu.memory_space<hbm>>) target(%dma_start3A_3 : memref<648x128xf32, #tpu.memory_space<vmem_shared>>) target_semaphore(%arg19 : memref<!tpu.dma_semaphore, #tpu.memory_space<semaphore_mem>>)
    "tpu.region"() ({
      %run_scoped3A_112 = tpu.sem_alloc : memref<!tpu.dma_semaphore, #tpu.memory_space<semaphore_mem>>
      %dma_start3A_113 = arith.constant 0 : i32
      %dma_start3A_114 = arith.constant 0 : i32
      %dma_start3A_115 = tpu.memref_slice %arg4[%add3A, %dma_start3A_113, %dma_start3A_114] : memref<32x125x80xi32, #tpu.memory_space<hbm>> -> memref<1x125x80xi32, #tpu.memory_space<hbm>>
      %dma_start3A_116 = tpu.memref_squeeze %dma_start3A_115 : memref<1x125x80xi32, #tpu.memory_space<hbm>> -> memref<125x80xi32, #tpu.memory_space<hbm>>
      %dma_start3A_117 = arith.constant 0 : i32
      %dma_start3A_118 = arith.constant 0 : i32
      %dma_start3A_119 = tpu.memref_slice %arg4[%add3A, %dma_start3A_117, %dma_start3A_118] : memref<32x125x80xi32, #tpu.memory_space<hbm>> -> memref<1x125x80xi32, #tpu.memory_space<hbm>>
      %dma_start3A_120 = tpu.memref_squeeze %dma_start3A_119 : memref<1x125x80xi32, #tpu.memory_space<hbm>> -> memref<125x80xi32, #tpu.memory_space<hbm>>
      tpu.enqueue_dma source(%dma_start3A_120 : memref<125x80xi32, #tpu.memory_space<hbm>>) target(%arg9 : memref<125x80xi32, #tpu.memory_space<vmem>>) target_semaphore(%run_scoped3A_112 : memref<!tpu.dma_semaphore, #tpu.memory_space<semaphore_mem>>)
      %dma_wait3A_121 = arith.constant 0 : i32
      %dma_wait3A_122 = arith.constant 0 : i32
      %dma_wait3A_123 = tpu.memref_slice %arg4[%add3A, %dma_wait3A_121, %dma_wait3A_122] : memref<32x125x80xi32, #tpu.memory_space<hbm>> -> memref<1x125x80xi32, #tpu.memory_space<hbm>>
      %dma_wait3A_124 = tpu.memref_squeeze %dma_wait3A_123 : memref<1x125x80xi32, #tpu.memory_space<hbm>> -> memref<125x80xi32, #tpu.memory_space<hbm>>
      %dma_wait3A_125 = arith.constant 0 : i32
      %dma_wait3A_126 = arith.constant 0 : i32
      %dma_wait3A_127 = tpu.memref_slice %arg4[%add3A, %dma_wait3A_125, %dma_wait3A_126] : memref<32x125x80xi32, #tpu.memory_space<hbm>> -> memref<1x125x80xi32, #tpu.memory_space<hbm>>
      %dma_wait3A_128 = tpu.memref_squeeze %dma_wait3A_127 : memref<1x125x80xi32, #tpu.memory_space<hbm>> -> memref<125x80xi32, #tpu.memory_space<hbm>>
      tpu.wait_dma2 semaphore(%run_scoped3A_112 : memref<!tpu.dma_semaphore, #tpu.memory_space<semaphore_mem>>) src(%dma_wait3A_128 : memref<125x80xi32, #tpu.memory_space<hbm>>) dst(%arg9 : memref<125x80xi32, #tpu.memory_space<vmem>>)
      tpu.yield
    }) : () -> ()
    "tpu.region"() ({
      %run_scoped3A_112 = tpu.sem_alloc : memref<!tpu.dma_semaphore, #tpu.memory_space<semaphore_mem>>
      %dma_start3A_113 = arith.constant 0 : i32
      %dma_start3A_114 = arith.constant 0 : i32
      %dma_start3A_115 = tpu.memref_slice %arg5[%dma_start3A_113, %dma_start3A_114] : memref<648x128xf32, #tpu.memory_space<hbm>> -> memref<80x128xf32, #tpu.memory_space<hbm>>
      %dma_start3A_116 = arith.constant 0 : i32
      %dma_start3A_117 = arith.constant 0 : i32
      %dma_start3A_118 = tpu.memref_slice %arg5[%dma_start3A_116, %dma_start3A_117] : memref<648x128xf32, #tpu.memory_space<hbm>> -> memref<80x128xf32, #tpu.memory_space<hbm>>
      tpu.enqueue_dma source(%dma_start3A_118 : memref<80x128xf32, #tpu.memory_space<hbm>>) target(%arg20 : memref<80x128xf32, #tpu.memory_space<vmem>>) target_semaphore(%run_scoped3A_112 : memref<!tpu.dma_semaphore, #tpu.memory_space<semaphore_mem>>)
      %dma_wait3A_119 = arith.constant 0 : i32
      %dma_wait3A_120 = arith.constant 0 : i32
      %dma_wait3A_121 = tpu.memref_slice %arg5[%dma_wait3A_119, %dma_wait3A_120] : memref<648x128xf32, #tpu.memory_space<hbm>> -> memref<80x128xf32, #tpu.memory_space<hbm>>
      %dma_wait3A_122 = arith.constant 0 : i32
      %dma_wait3A_123 = arith.constant 0 : i32
      %dma_wait3A_124 = tpu.memref_slice %arg5[%dma_wait3A_122, %dma_wait3A_123] : memref<648x128xf32, #tpu.memory_space<hbm>> -> memref<80x128xf32, #tpu.memory_space<hbm>>
      tpu.wait_dma2 semaphore(%run_scoped3A_112 : memref<!tpu.dma_semaphore, #tpu.memory_space<semaphore_mem>>) src(%dma_wait3A_124 : memref<80x128xf32, #tpu.memory_space<hbm>>) dst(%arg20 : memref<80x128xf32, #tpu.memory_space<vmem>>)
      tpu.yield
    }) : () -> ()
    %iota3A = tpu.iota {dimensions = array<i32: 0>} : vector<16xi32>
    %add3A_4 = arith.constant 10240 : i32
    %add3A_5 = vector.broadcast %add3A_4 : i32 to vector<16xi32>
    %add3A_6 = arith.addi %add3A_5, %iota3A : vector<16xi32>
    %swap3A = arith.constant 0 : index
    %swap3A_7 = tpu.vector_load %arg21[%swap3A] {strides = array<i32>} : memref<80xi32, #tpu.memory_space<vmem>>, vector<16xi32>,
    tpu.vector_store %arg21[%swap3A], %add3A_6 {strides = array<i32>} : memref<80xi32, #tpu.memory_space<vmem>>, vector<16xi32>,
    %iota3A_8 = tpu.iota {dimensions = array<i32: 0>} : vector<16xi32>
    %add3A_9 = arith.constant 10256 : i32
    %add3A_10 = vector.broadcast %add3A_9 : i32 to vector<16xi32>
    %add3A_11 = arith.addi %add3A_10, %iota3A_8 : vector<16xi32>
    %swap3A_12 = arith.constant 16 : index
    %swap3A_13 = tpu.vector_load %arg21[%swap3A_12] {strides = array<i32>} : memref<80xi32, #tpu.memory_space<vmem>>, vector<16xi32>,
    tpu.vector_store %arg21[%swap3A_12], %add3A_11 {strides = array<i32>} : memref<80xi32, #tpu.memory_space<vmem>>, vector<16xi32>,
    %iota3A_14 = tpu.iota {dimensions = array<i32: 0>} : vector<16xi32>
    %add3A_15 = arith.constant 10272 : i32
    %add3A_16 = vector.broadcast %add3A_15 : i32 to vector<16xi32>
    %add3A_17 = arith.addi %add3A_16, %iota3A_14 : vector<16xi32>
    %swap3A_18 = arith.constant 32 : index
    %swap3A_19 = tpu.vector_load %arg21[%swap3A_18] {strides = array<i32>} : memref<80xi32, #tpu.memory_space<vmem>>, vector<16xi32>,
    tpu.vector_store %arg21[%swap3A_18], %add3A_17 {strides = array<i32>} : memref<80xi32, #tpu.memory_space<vmem>>, vector<16xi32>,
    %iota3A_20 = tpu.iota {dimensions = array<i32: 0>} : vector<16xi32>
    %add3A_21 = arith.constant 10288 : i32
    %add3A_22 = vector.broadcast %add3A_21 : i32 to vector<16xi32>
    %add3A_23 = arith.addi %add3A_22, %iota3A_20 : vector<16xi32>
    %swap3A_24 = arith.constant 48 : index
    %swap3A_25 = tpu.vector_load %arg21[%swap3A_24] {strides = array<i32>} : memref<80xi32, #tpu.memory_space<vmem>>, vector<16xi32>,
    tpu.vector_store %arg21[%swap3A_24], %add3A_23 {strides = array<i32>} : memref<80xi32, #tpu.memory_space<vmem>>, vector<16xi32>,
    %iota3A_26 = tpu.iota {dimensions = array<i32: 0>} : vector<16xi32>
    %add3A_27 = arith.constant 10304 : i32
    %add3A_28 = vector.broadcast %add3A_27 : i32 to vector<16xi32>
    %add3A_29 = arith.addi %add3A_28, %iota3A_26 : vector<16xi32>
    %swap3A_30 = arith.constant 64 : index
    %swap3A_31 = tpu.vector_load %arg21[%swap3A_30] {strides = array<i32>} : memref<80xi32, #tpu.memory_space<vmem>>, vector<16xi32>,
    tpu.vector_store %arg21[%swap3A_30], %add3A_29 {strides = array<i32>} : memref<80xi32, #tpu.memory_space<vmem>>, vector<16xi32>,
    %broadcast_in_dim3A = arith.constant 1.000000e+00 : f32
    %broadcast_in_dim3A_32 = vector.broadcast %broadcast_in_dim3A : f32 to vector<16xf32>
    %run_scoped3A = arith.constant 0 : i32
    "tpu.region"() ({
      %run_scoped3A_112 = tpu.sem_alloc : memref<!tpu.dma_semaphore, #tpu.memory_space<semaphore_mem>>
      %dma_start3A_113 = arith.constant 0 : i32
      %dma_start3A_114 = tpu.memref_slice %arg3[%add3A, %run_scoped3A, %dma_start3A_113] : memref<32x125x80xi32, #tpu.memory_space<hbm>> -> memref<1x1x80xi32, #tpu.memory_space<hbm>>
      %dma_start3A_115 = tpu.memref_squeeze %dma_start3A_114 : memref<1x1x80xi32, #tpu.memory_space<hbm>> -> memref<80xi32, #tpu.memory_space<hbm>>
      %dma_start3A_116 = arith.constant 0 : i32
      %dma_start3A_117 = tpu.memref_slice %arg3[%add3A, %run_scoped3A, %dma_start3A_116] : memref<32x125x80xi32, #tpu.memory_space<hbm>> -> memref<1x1x80xi32, #tpu.memory_space<hbm>>
      %dma_start3A_118 = tpu.memref_squeeze %dma_start3A_117 : memref<1x1x80xi32, #tpu.memory_space<hbm>> -> memref<80xi32, #tpu.memory_space<hbm>>
      tpu.enqueue_dma source(%dma_start3A_118 : memref<80xi32, #tpu.memory_space<hbm>>) target(%arg7 : memref<80xi32, #tpu.memory_space<vmem>>) target_semaphore(%run_scoped3A_112 : memref<!tpu.dma_semaphore, #tpu.memory_space<semaphore_mem>>)
      %dma_wait3A_119 = arith.constant 0 : i32
      %dma_wait3A_120 = tpu.memref_slice %arg3[%add3A, %run_scoped3A, %dma_wait3A_119] : memref<32x125x80xi32, #tpu.memory_space<hbm>> -> memref<1x1x80xi32, #tpu.memory_space<hbm>>
      %dma_wait3A_121 = tpu.memref_squeeze %dma_wait3A_120 : memref<1x1x80xi32, #tpu.memory_space<hbm>> -> memref<80xi32, #tpu.memory_space<hbm>>
      %dma_wait3A_122 = arith.constant 0 : i32
      %dma_wait3A_123 = tpu.memref_slice %arg3[%add3A, %run_scoped3A, %dma_wait3A_122] : memref<32x125x80xi32, #tpu.memory_space<hbm>> -> memref<1x1x80xi32, #tpu.memory_space<hbm>>
      %dma_wait3A_124 = tpu.memref_squeeze %dma_wait3A_123 : memref<1x1x80xi32, #tpu.memory_space<hbm>> -> memref<80xi32, #tpu.memory_space<hbm>>
      tpu.wait_dma2 semaphore(%run_scoped3A_112 : memref<!tpu.dma_semaphore, #tpu.memory_space<semaphore_mem>>) src(%dma_wait3A_124 : memref<80xi32, #tpu.memory_space<hbm>>) dst(%arg7 : memref<80xi32, #tpu.memory_space<vmem>>)
      tpu.yield
    }) : () -> ()
    %dma_start3A_33 = arith.constant 0 : i32
    %dma_start3A_34 = arith.constant 0 : i32
    %dma_start3A_35 = tpu.memref_slice %arg2[%dma_start3A_33, %dma_start3A_34] : memref<10000x128xf32, #tpu.memory_space<hbm>> -> memref<10000x128xf32, #tpu.memory_space<hbm>>
    tpu.enqueue_indirect_dma source(%dma_start3A_35 : memref<10000x128xf32, #tpu.memory_space<hbm>>) target(%arg10 : memref<80x128xf32, #tpu.memory_space<vmem>>) offsets(%arg7 : memref<80xi32, #tpu.memory_space<vmem>>) semaphore(%arg13 : memref<!tpu.dma_semaphore, #tpu.memory_space<semaphore_mem>>)
    %dma_start3A_36 = arith.constant 1 : i32
    %dma_start3A_37 = arith.constant 0 : i32
    %dma_start3A_38 = tpu.memref_slice %arg3[%add3A, %dma_start3A_36, %dma_start3A_37] : memref<32x125x80xi32, #tpu.memory_space<hbm>> -> memref<1x1x80xi32, #tpu.memory_space<hbm>>
    %dma_start3A_39 = tpu.memref_squeeze %dma_start3A_38 : memref<1x1x80xi32, #tpu.memory_space<hbm>> -> memref<80xi32, #tpu.memory_space<hbm>>
    %dma_start3A_40 = arith.constant 0 : i32
    %dma_start3A_41 = tpu.memref_slice %arg3[%add3A, %dma_start3A_36, %dma_start3A_40] : memref<32x125x80xi32, #tpu.memory_space<hbm>> -> memref<1x1x80xi32, #tpu.memory_space<hbm>>
    %dma_start3A_42 = tpu.memref_squeeze %dma_start3A_41 : memref<1x1x80xi32, #tpu.memory_space<hbm>> -> memref<80xi32, #tpu.memory_space<hbm>>
    tpu.enqueue_dma source(%dma_start3A_42 : memref<80xi32, #tpu.memory_space<hbm>>) target(%arg8 : memref<80xi32, #tpu.memory_space<vmem>>) target_semaphore(%arg18 : memref<!tpu.dma_semaphore, #tpu.memory_space<semaphore_mem>>)
    %dma_wait3A = arith.constant 0 : i32
    %dma_wait3A_43 = tpu.memref_slice %arg12[%mul3A_2, %dma_wait3A] : memref<10368x128xf32, #tpu.memory_space<vmem_shared>> -> memref<648x128xf32, #tpu.memory_space<vmem_shared>>
    tpu.wait_dma2 semaphore(%arg19 : memref<!tpu.dma_semaphore, #tpu.memory_space<semaphore_mem>>) src(%arg5 : memref<648x128xf32, #tpu.memory_space<hbm>>) dst(%dma_wait3A_43 : memref<648x128xf32, #tpu.memory_space<vmem_shared>>)
    %barrier3A = arith.constant 0 : index
    tpu.barrier barrier_id(%barrier3A)
    %scan3A = arith.constant 0 : i32
    %scan3A_44 = arith.constant 0 : i32
    %scan3A_45 = arith.constant 62 : i32
    %scan3A_46 = arith.addi %scan3A_44, %scan3A_45 : i32
    %scan3A_47 = arith.constant 1 : i32
    scf.for %scan3A_112 = %scan3A_44 to %scan3A_46 step %scan3A_47  : i32 {
      %mul3A_113 = arith.constant 2 : i32
      %mul3A_114 = arith.muli %mul3A_113, %scan3A_112 : i32
      %gt3A = arith.constant 0 : i32
      %gt3A_115 = arith.cmpi sgt, %mul3A_114, %gt3A : i32
      %convert_element_type3A = arith.extui %gt3A_115 : i1 to i32
      %cond3A = arith.constant 0 : i32
      %cond3A_116 = arith.cmpi ne, %convert_element_type3A, %cond3A : i32
      scf.if %cond3A_116 {
        %sub3A = arith.constant 1 : i32
        %sub3A_267 = arith.subi %mul3A_114, %sub3A : i32
        %dma_wait3A_268 = arith.constant 0 : i32
        %dma_wait3A_269 = tpu.memref_slice %arg9[%sub3A_267, %dma_wait3A_268] : memref<125x80xi32, #tpu.memory_space<vmem>> -> memref<1x80xi32, #tpu.memory_space<vmem>>
        %dma_wait3A_270 = tpu.memref_squeeze %dma_wait3A_269 : memref<1x80xi32, #tpu.memory_space<vmem>> -> memref<80xi32, #tpu.memory_space<vmem>>
        %dma_wait3A_271 = arith.constant 0 : i32
        %dma_wait3A_272 = arith.constant 0 : i32
        %dma_wait3A_273 = tpu.memref_slice %arg12[%dma_wait3A_271, %dma_wait3A_272] : memref<10368x128xf32, #tpu.memory_space<vmem_shared>> -> memref<10368x128xf32, #tpu.memory_space<vmem_shared>>
        tpu.wait_indirect_dma semaphore(%arg16 : memref<!tpu.dma_semaphore, #tpu.memory_space<semaphore_mem>>) src(%arg11 : memref<80x128xf32, #tpu.memory_space<vmem>>) dst(%dma_wait3A_273 : memref<10368x128xf32, #tpu.memory_space<vmem_shared>>)
      } else {
      }
      %add3A_117 = arith.constant 1 : i32
      %add3A_118 = arith.addi %mul3A_114, %add3A_117 : i32
      %dma_wait3A_119 = arith.constant 0 : i32
      %dma_wait3A_120 = tpu.memref_slice %arg3[%add3A, %add3A_118, %dma_wait3A_119] : memref<32x125x80xi32, #tpu.memory_space<hbm>> -> memref<1x1x80xi32, #tpu.memory_space<hbm>>
      %dma_wait3A_121 = tpu.memref_squeeze %dma_wait3A_120 : memref<1x1x80xi32, #tpu.memory_space<hbm>> -> memref<80xi32, #tpu.memory_space<hbm>>
      %dma_wait3A_122 = arith.constant 0 : i32
      %dma_wait3A_123 = tpu.memref_slice %arg3[%add3A, %add3A_118, %dma_wait3A_122] : memref<32x125x80xi32, #tpu.memory_space<hbm>> -> memref<1x1x80xi32, #tpu.memory_space<hbm>>
      %dma_wait3A_124 = tpu.memref_squeeze %dma_wait3A_123 : memref<1x1x80xi32, #tpu.memory_space<hbm>> -> memref<80xi32, #tpu.memory_space<hbm>>
      tpu.wait_dma2 semaphore(%arg18 : memref<!tpu.dma_semaphore, #tpu.memory_space<semaphore_mem>>) src(%dma_wait3A_124 : memref<80xi32, #tpu.memory_space<hbm>>) dst(%arg8 : memref<80xi32, #tpu.memory_space<vmem>>)
      %dma_start3A_125 = arith.constant 0 : i32
      %dma_start3A_126 = arith.constant 0 : i32
      %dma_start3A_127 = tpu.memref_slice %arg2[%dma_start3A_125, %dma_start3A_126] : memref<10000x128xf32, #tpu.memory_space<hbm>> -> memref<10000x128xf32, #tpu.memory_space<hbm>>
      tpu.enqueue_indirect_dma source(%dma_start3A_127 : memref<10000x128xf32, #tpu.memory_space<hbm>>) target(%arg11 : memref<80x128xf32, #tpu.memory_space<vmem>>) offsets(%arg8 : memref<80xi32, #tpu.memory_space<vmem>>) semaphore(%arg14 : memref<!tpu.dma_semaphore, #tpu.memory_space<semaphore_mem>>)
      %get3A_128 = arith.index_cast %mul3A_114 : i32 to index
      %get3A_129 = arith.constant 0 : index
      %get3A_130 = tpu.vector_load %arg9[%get3A_128, %get3A_129] {strides = array<i32>} : memref<125x80xi32, #tpu.memory_space<vmem>>, vector<16xi32>,
      %shift_right_arithmetic3A_131 = arith.constant 7 : i32
      %shift_right_arithmetic3A_132 = vector.broadcast %shift_right_arithmetic3A_131 : i32 to vector<16xi32>
      %shift_right_arithmetic3A_133 = arith.shrsi %get3A_130, %shift_right_arithmetic3A_132 : vector<16xi32>
      %and3A_134 = arith.constant 127 : i32
      %and3A_135 = vector.broadcast %and3A_134 : i32 to vector<16xi32>
      %and3A_136 = arith.andi %get3A_130, %and3A_135 : vector<16xi32>
      tpu.vector_store_idx %arg20[%shift_right_arithmetic3A_133, %and3A_136], %broadcast_in_dim3A_32 {add = true} : memref<80x128xf32, #tpu.memory_space<vmem>>[vector<16xi32>, vector<16xi32>], vector<16xf32>,
      %get3A_137 = arith.index_cast %mul3A_114 : i32 to index
      %get3A_138 = arith.constant 16 : index
      %get3A_139 = tpu.vector_load %arg9[%get3A_137, %get3A_138] {strides = array<i32>} : memref<125x80xi32, #tpu.memory_space<vmem>>, vector<16xi32>,
      %shift_right_arithmetic3A_140 = arith.constant 7 : i32
      %shift_right_arithmetic3A_141 = vector.broadcast %shift_right_arithmetic3A_140 : i32 to vector<16xi32>
      %shift_right_arithmetic3A_142 = arith.shrsi %get3A_139, %shift_right_arithmetic3A_141 : vector<16xi32>
      %and3A_143 = arith.constant 127 : i32
      %and3A_144 = vector.broadcast %and3A_143 : i32 to vector<16xi32>
      %and3A_145 = arith.andi %get3A_139, %and3A_144 : vector<16xi32>
      tpu.vector_store_idx %arg20[%shift_right_arithmetic3A_142, %and3A_145], %broadcast_in_dim3A_32 {add = true} : memref<80x128xf32, #tpu.memory_space<vmem>>[vector<16xi32>, vector<16xi32>], vector<16xf32>,
      %get3A_146 = arith.index_cast %mul3A_114 : i32 to index
      %get3A_147 = arith.constant 32 : index
      %get3A_148 = tpu.vector_load %arg9[%get3A_146, %get3A_147] {strides = array<i32>} : memref<125x80xi32, #tpu.memory_space<vmem>>, vector<16xi32>,
      %shift_right_arithmetic3A_149 = arith.constant 7 : i32
      %shift_right_arithmetic3A_150 = vector.broadcast %shift_right_arithmetic3A_149 : i32 to vector<16xi32>
      %shift_right_arithmetic3A_151 = arith.shrsi %get3A_148, %shift_right_arithmetic3A_150 : vector<16xi32>
      %and3A_152 = arith.constant 127 : i32
      %and3A_153 = vector.broadcast %and3A_152 : i32 to vector<16xi32>
      %and3A_154 = arith.andi %get3A_148, %and3A_153 : vector<16xi32>
      tpu.vector_store_idx %arg20[%shift_right_arithmetic3A_151, %and3A_154], %broadcast_in_dim3A_32 {add = true} : memref<80x128xf32, #tpu.memory_space<vmem>>[vector<16xi32>, vector<16xi32>], vector<16xf32>,
      %get3A_155 = arith.index_cast %mul3A_114 : i32 to index
      %get3A_156 = arith.constant 48 : index
      %get3A_157 = tpu.vector_load %arg9[%get3A_155, %get3A_156] {strides = array<i32>} : memref<125x80xi32, #tpu.memory_space<vmem>>, vector<16xi32>,
      %shift_right_arithmetic3A_158 = arith.constant 7 : i32
      %shift_right_arithmetic3A_159 = vector.broadcast %shift_right_arithmetic3A_158 : i32 to vector<16xi32>
      %shift_right_arithmetic3A_160 = arith.shrsi %get3A_157, %shift_right_arithmetic3A_159 : vector<16xi32>
      %and3A_161 = arith.constant 127 : i32
      %and3A_162 = vector.broadcast %and3A_161 : i32 to vector<16xi32>
      %and3A_163 = arith.andi %get3A_157, %and3A_162 : vector<16xi32>
      tpu.vector_store_idx %arg20[%shift_right_arithmetic3A_160, %and3A_163], %broadcast_in_dim3A_32 {add = true} : memref<80x128xf32, #tpu.memory_space<vmem>>[vector<16xi32>, vector<16xi32>], vector<16xf32>,
      %get3A_164 = arith.index_cast %mul3A_114 : i32 to index
      %get3A_165 = arith.constant 64 : index
      %get3A_166 = tpu.vector_load %arg9[%get3A_164, %get3A_165] {strides = array<i32>} : memref<125x80xi32, #tpu.memory_space<vmem>>, vector<16xi32>,
      %shift_right_arithmetic3A_167 = arith.constant 7 : i32
      %shift_right_arithmetic3A_168 = vector.broadcast %shift_right_arithmetic3A_167 : i32 to vector<16xi32>
      %shift_right_arithmetic3A_169 = arith.shrsi %get3A_166, %shift_right_arithmetic3A_168 : vector<16xi32>
      %and3A_170 = arith.constant 127 : i32
      %and3A_171 = vector.broadcast %and3A_170 : i32 to vector<16xi32>
      %and3A_172 = arith.andi %get3A_166, %and3A_171 : vector<16xi32>
      tpu.vector_store_idx %arg20[%shift_right_arithmetic3A_169, %and3A_172], %broadcast_in_dim3A_32 {add = true} : memref<80x128xf32, #tpu.memory_space<vmem>>[vector<16xi32>, vector<16xi32>], vector<16xf32>,
      %dma_wait3A_173 = arith.constant 0 : i32
      %dma_wait3A_174 = arith.constant 0 : i32
      %dma_wait3A_175 = tpu.memref_slice %arg2[%dma_wait3A_173, %dma_wait3A_174] : memref<10000x128xf32, #tpu.memory_space<hbm>> -> memref<10000x128xf32, #tpu.memory_space<hbm>>
      tpu.wait_indirect_dma semaphore(%arg13 : memref<!tpu.dma_semaphore, #tpu.memory_space<semaphore_mem>>) src(%dma_wait3A_175 : memref<10000x128xf32, #tpu.memory_space<hbm>>) dst(%arg10 : memref<80x128xf32, #tpu.memory_space<vmem>>)
      %add3A_176 = arith.constant 2 : i32
      %add3A_177 = arith.addi %mul3A_114, %add3A_176 : i32
      %lt3A = arith.constant 125 : i32
      %lt3A_178 = arith.cmpi slt, %add3A_177, %lt3A : i32
      %convert_element_type3A_179 = arith.extui %lt3A_178 : i1 to i32
      %cond3A_180 = arith.constant 0 : i32
      %cond3A_181 = arith.cmpi ne, %convert_element_type3A_179, %cond3A_180 : i32
      scf.if %cond3A_181 {
        %add3A_267 = arith.constant 2 : i32
        %add3A_268 = arith.addi %mul3A_114, %add3A_267 : i32
        %dma_start3A_269 = arith.constant 0 : i32
        %dma_start3A_270 = tpu.memref_slice %arg3[%add3A, %add3A_268, %dma_start3A_269] : memref<32x125x80xi32, #tpu.memory_space<hbm>> -> memref<1x1x80xi32, #tpu.memory_space<hbm>>
        %dma_start3A_271 = tpu.memref_squeeze %dma_start3A_270 : memref<1x1x80xi32, #tpu.memory_space<hbm>> -> memref<80xi32, #tpu.memory_space<hbm>>
        %dma_start3A_272 = arith.constant 0 : i32
        %dma_start3A_273 = tpu.memref_slice %arg3[%add3A, %add3A_268, %dma_start3A_272] : memref<32x125x80xi32, #tpu.memory_space<hbm>> -> memref<1x1x80xi32, #tpu.memory_space<hbm>>
        %dma_start3A_274 = tpu.memref_squeeze %dma_start3A_273 : memref<1x1x80xi32, #tpu.memory_space<hbm>> -> memref<80xi32, #tpu.memory_space<hbm>>
        tpu.enqueue_dma source(%dma_start3A_274 : memref<80xi32, #tpu.memory_space<hbm>>) target(%arg7 : memref<80xi32, #tpu.memory_space<vmem>>) target_semaphore(%arg17 : memref<!tpu.dma_semaphore, #tpu.memory_space<semaphore_mem>>)
      } else {
      }
      %dma_start3A_182 = arith.constant 0 : i32
      %dma_start3A_183 = tpu.memref_slice %arg9[%mul3A_114, %dma_start3A_182] : memref<125x80xi32, #tpu.memory_space<vmem>> -> memref<1x80xi32, #tpu.memory_space<vmem>>
      %dma_start3A_184 = tpu.memref_squeeze %dma_start3A_183 : memref<1x80xi32, #tpu.memory_space<vmem>> -> memref<80xi32, #tpu.memory_space<vmem>>
      %dma_start3A_185 = arith.constant 0 : i32
      %dma_start3A_186 = arith.constant 0 : i32
      %dma_start3A_187 = tpu.memref_slice %arg12[%dma_start3A_185, %dma_start3A_186] : memref<10368x128xf32, #tpu.memory_space<vmem_shared>> -> memref<10368x128xf32, #tpu.memory_space<vmem_shared>>
      tpu.enqueue_indirect_dma source(%arg10 : memref<80x128xf32, #tpu.memory_space<vmem>>) target(%dma_start3A_187 : memref<10368x128xf32, #tpu.memory_space<vmem_shared>>) offsets(%dma_start3A_184 : memref<80xi32, #tpu.memory_space<vmem>>) semaphore(%arg15 : memref<!tpu.dma_semaphore, #tpu.memory_space<semaphore_mem>>) {add = true}
      %add3A_188 = arith.constant 1 : i32
      %add3A_189 = arith.addi %mul3A_114, %add3A_188 : i32
      %gt3A_190 = arith.constant 0 : i32
      %gt3A_191 = arith.cmpi sgt, %add3A_189, %gt3A_190 : i32
      %convert_element_type3A_192 = arith.extui %gt3A_191 : i1 to i32
      %cond3A_193 = arith.constant 0 : i32
      %cond3A_194 = arith.cmpi ne, %convert_element_type3A_192, %cond3A_193 : i32
      scf.if %cond3A_194 {
        %sub3A = arith.constant 1 : i32
        %sub3A_267 = arith.subi %add3A_189, %sub3A : i32
        %dma_wait3A_268 = arith.constant 0 : i32
        %dma_wait3A_269 = tpu.memref_slice %arg9[%sub3A_267, %dma_wait3A_268] : memref<125x80xi32, #tpu.memory_space<vmem>> -> memref<1x80xi32, #tpu.memory_space<vmem>>
        %dma_wait3A_270 = tpu.memref_squeeze %dma_wait3A_269 : memref<1x80xi32, #tpu.memory_space<vmem>> -> memref<80xi32, #tpu.memory_space<vmem>>
        %dma_wait3A_271 = arith.constant 0 : i32
        %dma_wait3A_272 = arith.constant 0 : i32
        %dma_wait3A_273 = tpu.memref_slice %arg12[%dma_wait3A_271, %dma_wait3A_272] : memref<10368x128xf32, #tpu.memory_space<vmem_shared>> -> memref<10368x128xf32, #tpu.memory_space<vmem_shared>>
        tpu.wait_indirect_dma semaphore(%arg15 : memref<!tpu.dma_semaphore, #tpu.memory_space<semaphore_mem>>) src(%arg10 : memref<80x128xf32, #tpu.memory_space<vmem>>) dst(%dma_wait3A_273 : memref<10368x128xf32, #tpu.memory_space<vmem_shared>>)
      } else {
      }
      %add3A_195 = arith.constant 1 : i32
      %add3A_196 = arith.addi %add3A_189, %add3A_195 : i32
      %dma_wait3A_197 = arith.constant 0 : i32
      %dma_wait3A_198 = tpu.memref_slice %arg3[%add3A, %add3A_196, %dma_wait3A_197] : memref<32x125x80xi32, #tpu.memory_space<hbm>> -> memref<1x1x80xi32, #tpu.memory_space<hbm>>
      %dma_wait3A_199 = tpu.memref_squeeze %dma_wait3A_198 : memref<1x1x80xi32, #tpu.memory_space<hbm>> -> memref<80xi32, #tpu.memory_space<hbm>>
      %dma_wait3A_200 = arith.constant 0 : i32
      %dma_wait3A_201 = tpu.memref_slice %arg3[%add3A, %add3A_196, %dma_wait3A_200] : memref<32x125x80xi32, #tpu.memory_space<hbm>> -> memref<1x1x80xi32, #tpu.memory_space<hbm>>
      %dma_wait3A_202 = tpu.memref_squeeze %dma_wait3A_201 : memref<1x1x80xi32, #tpu.memory_space<hbm>> -> memref<80xi32, #tpu.memory_space<hbm>>
      tpu.wait_dma2 semaphore(%arg17 : memref<!tpu.dma_semaphore, #tpu.memory_space<semaphore_mem>>) src(%dma_wait3A_202 : memref<80xi32, #tpu.memory_space<hbm>>) dst(%arg7 : memref<80xi32, #tpu.memory_space<vmem>>)
      %dma_start3A_203 = arith.constant 0 : i32
      %dma_start3A_204 = arith.constant 0 : i32
      %dma_start3A_205 = tpu.memref_slice %arg2[%dma_start3A_203, %dma_start3A_204] : memref<10000x128xf32, #tpu.memory_space<hbm>> -> memref<10000x128xf32, #tpu.memory_space<hbm>>
      tpu.enqueue_indirect_dma source(%dma_start3A_205 : memref<10000x128xf32, #tpu.memory_space<hbm>>) target(%arg10 : memref<80x128xf32, #tpu.memory_space<vmem>>) offsets(%arg7 : memref<80xi32, #tpu.memory_space<vmem>>) semaphore(%arg13 : memref<!tpu.dma_semaphore, #tpu.memory_space<semaphore_mem>>)
      %get3A_206 = arith.index_cast %add3A_189 : i32 to index
      %get3A_207 = arith.constant 0 : index
      %get3A_208 = tpu.vector_load %arg9[%get3A_206, %get3A_207] {strides = array<i32>} : memref<125x80xi32, #tpu.memory_space<vmem>>, vector<16xi32>,
      %shift_right_arithmetic3A_209 = arith.constant 7 : i32
      %shift_right_arithmetic3A_210 = vector.broadcast %shift_right_arithmetic3A_209 : i32 to vector<16xi32>
      %shift_right_arithmetic3A_211 = arith.shrsi %get3A_208, %shift_right_arithmetic3A_210 : vector<16xi32>
      %and3A_212 = arith.constant 127 : i32
      %and3A_213 = vector.broadcast %and3A_212 : i32 to vector<16xi32>
      %and3A_214 = arith.andi %get3A_208, %and3A_213 : vector<16xi32>
      tpu.vector_store_idx %arg20[%shift_right_arithmetic3A_211, %and3A_214], %broadcast_in_dim3A_32 {add = true} : memref<80x128xf32, #tpu.memory_space<vmem>>[vector<16xi32>, vector<16xi32>], vector<16xf32>,
      %get3A_215 = arith.index_cast %add3A_189 : i32 to index
      %get3A_216 = arith.constant 16 : index
      %get3A_217 = tpu.vector_load %arg9[%get3A_215, %get3A_216] {strides = array<i32>} : memref<125x80xi32, #tpu.memory_space<vmem>>, vector<16xi32>,
      %shift_right_arithmetic3A_218 = arith.constant 7 : i32
      %shift_right_arithmetic3A_219 = vector.broadcast %shift_right_arithmetic3A_218 : i32 to vector<16xi32>
      %shift_right_arithmetic3A_220 = arith.shrsi %get3A_217, %shift_right_arithmetic3A_219 : vector<16xi32>
      %and3A_221 = arith.constant 127 : i32
      %and3A_222 = vector.broadcast %and3A_221 : i32 to vector<16xi32>
      %and3A_223 = arith.andi %get3A_217, %and3A_222 : vector<16xi32>
      tpu.vector_store_idx %arg20[%shift_right_arithmetic3A_220, %and3A_223], %broadcast_in_dim3A_32 {add = true} : memref<80x128xf32, #tpu.memory_space<vmem>>[vector<16xi32>, vector<16xi32>], vector<16xf32>,
      %get3A_224 = arith.index_cast %add3A_189 : i32 to index
      %get3A_225 = arith.constant 32 : index
      %get3A_226 = tpu.vector_load %arg9[%get3A_224, %get3A_225] {strides = array<i32>} : memref<125x80xi32, #tpu.memory_space<vmem>>, vector<16xi32>,
      %shift_right_arithmetic3A_227 = arith.constant 7 : i32
      %shift_right_arithmetic3A_228 = vector.broadcast %shift_right_arithmetic3A_227 : i32 to vector<16xi32>
      %shift_right_arithmetic3A_229 = arith.shrsi %get3A_226, %shift_right_arithmetic3A_228 : vector<16xi32>
      %and3A_230 = arith.constant 127 : i32
      %and3A_231 = vector.broadcast %and3A_230 : i32 to vector<16xi32>
      %and3A_232 = arith.andi %get3A_226, %and3A_231 : vector<16xi32>
      tpu.vector_store_idx %arg20[%shift_right_arithmetic3A_229, %and3A_232], %broadcast_in_dim3A_32 {add = true} : memref<80x128xf32, #tpu.memory_space<vmem>>[vector<16xi32>, vector<16xi32>], vector<16xf32>,
      %get3A_233 = arith.index_cast %add3A_189 : i32 to index
      %get3A_234 = arith.constant 48 : index
      %get3A_235 = tpu.vector_load %arg9[%get3A_233, %get3A_234] {strides = array<i32>} : memref<125x80xi32, #tpu.memory_space<vmem>>, vector<16xi32>,
      %shift_right_arithmetic3A_236 = arith.constant 7 : i32
      %shift_right_arithmetic3A_237 = vector.broadcast %shift_right_arithmetic3A_236 : i32 to vector<16xi32>
      %shift_right_arithmetic3A_238 = arith.shrsi %get3A_235, %shift_right_arithmetic3A_237 : vector<16xi32>
      %and3A_239 = arith.constant 127 : i32
      %and3A_240 = vector.broadcast %and3A_239 : i32 to vector<16xi32>
      %and3A_241 = arith.andi %get3A_235, %and3A_240 : vector<16xi32>
      tpu.vector_store_idx %arg20[%shift_right_arithmetic3A_238, %and3A_241], %broadcast_in_dim3A_32 {add = true} : memref<80x128xf32, #tpu.memory_space<vmem>>[vector<16xi32>, vector<16xi32>], vector<16xf32>,
      %get3A_242 = arith.index_cast %add3A_189 : i32 to index
      %get3A_243 = arith.constant 64 : index
      %get3A_244 = tpu.vector_load %arg9[%get3A_242, %get3A_243] {strides = array<i32>} : memref<125x80xi32, #tpu.memory_space<vmem>>, vector<16xi32>,
      %shift_right_arithmetic3A_245 = arith.constant 7 : i32
      %shift_right_arithmetic3A_246 = vector.broadcast %shift_right_arithmetic3A_245 : i32 to vector<16xi32>
      %shift_right_arithmetic3A_247 = arith.shrsi %get3A_244, %shift_right_arithmetic3A_246 : vector<16xi32>
      %and3A_248 = arith.constant 127 : i32
      %and3A_249 = vector.broadcast %and3A_248 : i32 to vector<16xi32>
      %and3A_250 = arith.andi %get3A_244, %and3A_249 : vector<16xi32>
      tpu.vector_store_idx %arg20[%shift_right_arithmetic3A_247, %and3A_250], %broadcast_in_dim3A_32 {add = true} : memref<80x128xf32, #tpu.memory_space<vmem>>[vector<16xi32>, vector<16xi32>], vector<16xf32>,
      %dma_wait3A_251 = arith.constant 0 : i32
      %dma_wait3A_252 = arith.constant 0 : i32
      %dma_wait3A_253 = tpu.memref_slice %arg2[%dma_wait3A_251, %dma_wait3A_252] : memref<10000x128xf32, #tpu.memory_space<hbm>> -> memref<10000x128xf32, #tpu.memory_space<hbm>>
      tpu.wait_indirect_dma semaphore(%arg14 : memref<!tpu.dma_semaphore, #tpu.memory_space<semaphore_mem>>) src(%dma_wait3A_253 : memref<10000x128xf32, #tpu.memory_space<hbm>>) dst(%arg11 : memref<80x128xf32, #tpu.memory_space<vmem>>)
      %add3A_254 = arith.constant 2 : i32
      %add3A_255 = arith.addi %add3A_189, %add3A_254 : i32
      %lt3A_256 = arith.constant 125 : i32
      %lt3A_257 = arith.cmpi slt, %add3A_255, %lt3A_256 : i32
      %convert_element_type3A_258 = arith.extui %lt3A_257 : i1 to i32
      %cond3A_259 = arith.constant 0 : i32
      %cond3A_260 = arith.cmpi ne, %convert_element_type3A_258, %cond3A_259 : i32
      scf.if %cond3A_260 {
        %add3A_267 = arith.constant 2 : i32
        %add3A_268 = arith.addi %add3A_189, %add3A_267 : i32
        %dma_start3A_269 = arith.constant 0 : i32
        %dma_start3A_270 = tpu.memref_slice %arg3[%add3A, %add3A_268, %dma_start3A_269] : memref<32x125x80xi32, #tpu.memory_space<hbm>> -> memref<1x1x80xi32, #tpu.memory_space<hbm>>
        %dma_start3A_271 = tpu.memref_squeeze %dma_start3A_270 : memref<1x1x80xi32, #tpu.memory_space<hbm>> -> memref<80xi32, #tpu.memory_space<hbm>>
        %dma_start3A_272 = arith.constant 0 : i32
        %dma_start3A_273 = tpu.memref_slice %arg3[%add3A, %add3A_268, %dma_start3A_272] : memref<32x125x80xi32, #tpu.memory_space<hbm>> -> memref<1x1x80xi32, #tpu.memory_space<hbm>>
        %dma_start3A_274 = tpu.memref_squeeze %dma_start3A_273 : memref<1x1x80xi32, #tpu.memory_space<hbm>> -> memref<80xi32, #tpu.memory_space<hbm>>
        tpu.enqueue_dma source(%dma_start3A_274 : memref<80xi32, #tpu.memory_space<hbm>>) target(%arg8 : memref<80xi32, #tpu.memory_space<vmem>>) target_semaphore(%arg18 : memref<!tpu.dma_semaphore, #tpu.memory_space<semaphore_mem>>)
      } else {
      }
      %dma_start3A_261 = arith.constant 0 : i32
      %dma_start3A_262 = tpu.memref_slice %arg9[%add3A_189, %dma_start3A_261] : memref<125x80xi32, #tpu.memory_space<vmem>> -> memref<1x80xi32, #tpu.memory_space<vmem>>
      %dma_start3A_263 = tpu.memref_squeeze %dma_start3A_262 : memref<1x80xi32, #tpu.memory_space<vmem>> -> memref<80xi32, #tpu.memory_space<vmem>>
      %dma_start3A_264 = arith.constant 0 : i32
      %dma_start3A_265 = arith.constant 0 : i32
      %dma_start3A_266 = tpu.memref_slice %arg12[%dma_start3A_264, %dma_start3A_265] : memref<10368x128xf32, #tpu.memory_space<vmem_shared>> -> memref<10368x128xf32, #tpu.memory_space<vmem_shared>>
      tpu.enqueue_indirect_dma source(%arg11 : memref<80x128xf32, #tpu.memory_space<vmem>>) target(%dma_start3A_266 : memref<10368x128xf32, #tpu.memory_space<vmem_shared>>) offsets(%dma_start3A_263 : memref<80xi32, #tpu.memory_space<vmem>>) semaphore(%arg16 : memref<!tpu.dma_semaphore, #tpu.memory_space<semaphore_mem>>) {add = true}
    }
    %scan3A_48 = arith.constant 62 : i32
    %dma_wait3A_49 = arith.constant 123 : i32
    %dma_wait3A_50 = arith.constant 0 : i32
    %dma_wait3A_51 = tpu.memref_slice %arg9[%dma_wait3A_49, %dma_wait3A_50] : memref<125x80xi32, #tpu.memory_space<vmem>> -> memref<1x80xi32, #tpu.memory_space<vmem>>
    %dma_wait3A_52 = tpu.memref_squeeze %dma_wait3A_51 : memref<1x80xi32, #tpu.memory_space<vmem>> -> memref<80xi32, #tpu.memory_space<vmem>>
    %dma_wait3A_53 = arith.constant 0 : i32
    %dma_wait3A_54 = arith.constant 0 : i32
    %dma_wait3A_55 = tpu.memref_slice %arg12[%dma_wait3A_53, %dma_wait3A_54] : memref<10368x128xf32, #tpu.memory_space<vmem_shared>> -> memref<10368x128xf32, #tpu.memory_space<vmem_shared>>
    tpu.wait_indirect_dma semaphore(%arg16 : memref<!tpu.dma_semaphore, #tpu.memory_space<semaphore_mem>>) src(%arg11 : memref<80x128xf32, #tpu.memory_space<vmem>>) dst(%dma_wait3A_55 : memref<10368x128xf32, #tpu.memory_space<vmem_shared>>)
    %dma_wait3A_56 = arith.constant 0 : i32
    %dma_wait3A_57 = arith.constant 0 : i32
    %dma_wait3A_58 = tpu.memref_slice %arg2[%dma_wait3A_56, %dma_wait3A_57] : memref<10000x128xf32, #tpu.memory_space<hbm>> -> memref<10000x128xf32, #tpu.memory_space<hbm>>
    tpu.wait_indirect_dma semaphore(%arg13 : memref<!tpu.dma_semaphore, #tpu.memory_space<semaphore_mem>>) src(%dma_wait3A_58 : memref<10000x128xf32, #tpu.memory_space<hbm>>) dst(%arg10 : memref<80x128xf32, #tpu.memory_space<vmem>>)
    %run_scoped3A_59 = arith.constant 124 : i32
    "tpu.region"() ({
      %run_scoped3A_112 = tpu.sem_alloc : memref<!tpu.dma_semaphore, #tpu.memory_space<semaphore_mem>>
      %dma_start3A_113 = arith.constant 0 : i32
      %dma_start3A_114 = tpu.memref_slice %arg9[%run_scoped3A_59, %dma_start3A_113] : memref<125x80xi32, #tpu.memory_space<vmem>> -> memref<1x80xi32, #tpu.memory_space<vmem>>
      %dma_start3A_115 = tpu.memref_squeeze %dma_start3A_114 : memref<1x80xi32, #tpu.memory_space<vmem>> -> memref<80xi32, #tpu.memory_space<vmem>>
      %dma_start3A_116 = arith.constant 0 : i32
      %dma_start3A_117 = arith.constant 0 : i32
      %dma_start3A_118 = tpu.memref_slice %arg12[%dma_start3A_116, %dma_start3A_117] : memref<10368x128xf32, #tpu.memory_space<vmem_shared>> -> memref<10368x128xf32, #tpu.memory_space<vmem_shared>>
      tpu.enqueue_indirect_dma source(%arg10 : memref<80x128xf32, #tpu.memory_space<vmem>>) target(%dma_start3A_118 : memref<10368x128xf32, #tpu.memory_space<vmem_shared>>) offsets(%dma_start3A_115 : memref<80xi32, #tpu.memory_space<vmem>>) semaphore(%run_scoped3A_112 : memref<!tpu.dma_semaphore, #tpu.memory_space<semaphore_mem>>) {add = true}
      %dma_wait3A_119 = arith.constant 0 : i32
      %dma_wait3A_120 = tpu.memref_slice %arg9[%run_scoped3A_59, %dma_wait3A_119] : memref<125x80xi32, #tpu.memory_space<vmem>> -> memref<1x80xi32, #tpu.memory_space<vmem>>
      %dma_wait3A_121 = tpu.memref_squeeze %dma_wait3A_120 : memref<1x80xi32, #tpu.memory_space<vmem>> -> memref<80xi32, #tpu.memory_space<vmem>>
      %dma_wait3A_122 = arith.constant 0 : i32
      %dma_wait3A_123 = arith.constant 0 : i32
      %dma_wait3A_124 = tpu.memref_slice %arg12[%dma_wait3A_122, %dma_wait3A_123] : memref<10368x128xf32, #tpu.memory_space<vmem_shared>> -> memref<10368x128xf32, #tpu.memory_space<vmem_shared>>
      tpu.wait_indirect_dma semaphore(%run_scoped3A_112 : memref<!tpu.dma_semaphore, #tpu.memory_space<semaphore_mem>>) src(%arg10 : memref<80x128xf32, #tpu.memory_space<vmem>>) dst(%dma_wait3A_124 : memref<10368x128xf32, #tpu.memory_space<vmem_shared>>)
      tpu.yield
    }) : () -> ()
    %get3A = arith.constant 124 : i32
    %get3A_60 = arith.index_cast %get3A : i32 to index
    %get3A_61 = arith.constant 0 : index
    %get3A_62 = tpu.vector_load %arg9[%get3A_60, %get3A_61] {strides = array<i32>} : memref<125x80xi32, #tpu.memory_space<vmem>>, vector<16xi32>,
    %shift_right_arithmetic3A = arith.constant 7 : i32
    %shift_right_arithmetic3A_63 = vector.broadcast %shift_right_arithmetic3A : i32 to vector<16xi32>
    %shift_right_arithmetic3A_64 = arith.shrsi %get3A_62, %shift_right_arithmetic3A_63 : vector<16xi32>
    %and3A = arith.constant 127 : i32
    %and3A_65 = vector.broadcast %and3A : i32 to vector<16xi32>
    %and3A_66 = arith.andi %get3A_62, %and3A_65 : vector<16xi32>
    tpu.vector_store_idx %arg20[%shift_right_arithmetic3A_64, %and3A_66], %broadcast_in_dim3A_32 {add = true} : memref<80x128xf32, #tpu.memory_space<vmem>>[vector<16xi32>, vector<16xi32>], vector<16xf32>,
    %get3A_67 = arith.constant 124 : i32
    %get3A_68 = arith.index_cast %get3A_67 : i32 to index
    %get3A_69 = arith.constant 16 : index
    %get3A_70 = tpu.vector_load %arg9[%get3A_68, %get3A_69] {strides = array<i32>} : memref<125x80xi32, #tpu.memory_space<vmem>>, vector<16xi32>,
    %shift_right_arithmetic3A_71 = arith.constant 7 : i32
    %shift_right_arithmetic3A_72 = vector.broadcast %shift_right_arithmetic3A_71 : i32 to vector<16xi32>
    %shift_right_arithmetic3A_73 = arith.shrsi %get3A_70, %shift_right_arithmetic3A_72 : vector<16xi32>
    %and3A_74 = arith.constant 127 : i32
    %and3A_75 = vector.broadcast %and3A_74 : i32 to vector<16xi32>
    %and3A_76 = arith.andi %get3A_70, %and3A_75 : vector<16xi32>
    tpu.vector_store_idx %arg20[%shift_right_arithmetic3A_73, %and3A_76], %broadcast_in_dim3A_32 {add = true} : memref<80x128xf32, #tpu.memory_space<vmem>>[vector<16xi32>, vector<16xi32>], vector<16xf32>,
    %get3A_77 = arith.constant 124 : i32
    %get3A_78 = arith.index_cast %get3A_77 : i32 to index
    %get3A_79 = arith.constant 32 : index
    %get3A_80 = tpu.vector_load %arg9[%get3A_78, %get3A_79] {strides = array<i32>} : memref<125x80xi32, #tpu.memory_space<vmem>>, vector<16xi32>,
    %shift_right_arithmetic3A_81 = arith.constant 7 : i32
    %shift_right_arithmetic3A_82 = vector.broadcast %shift_right_arithmetic3A_81 : i32 to vector<16xi32>
    %shift_right_arithmetic3A_83 = arith.shrsi %get3A_80, %shift_right_arithmetic3A_82 : vector<16xi32>
    %and3A_84 = arith.constant 127 : i32
    %and3A_85 = vector.broadcast %and3A_84 : i32 to vector<16xi32>
    %and3A_86 = arith.andi %get3A_80, %and3A_85 : vector<16xi32>
    tpu.vector_store_idx %arg20[%shift_right_arithmetic3A_83, %and3A_86], %broadcast_in_dim3A_32 {add = true} : memref<80x128xf32, #tpu.memory_space<vmem>>[vector<16xi32>, vector<16xi32>], vector<16xf32>,
    %get3A_87 = arith.constant 124 : i32
    %get3A_88 = arith.index_cast %get3A_87 : i32 to index
    %get3A_89 = arith.constant 48 : index
    %get3A_90 = tpu.vector_load %arg9[%get3A_88, %get3A_89] {strides = array<i32>} : memref<125x80xi32, #tpu.memory_space<vmem>>, vector<16xi32>,
    %shift_right_arithmetic3A_91 = arith.constant 7 : i32
    %shift_right_arithmetic3A_92 = vector.broadcast %shift_right_arithmetic3A_91 : i32 to vector<16xi32>
    %shift_right_arithmetic3A_93 = arith.shrsi %get3A_90, %shift_right_arithmetic3A_92 : vector<16xi32>
    %and3A_94 = arith.constant 127 : i32
    %and3A_95 = vector.broadcast %and3A_94 : i32 to vector<16xi32>
    %and3A_96 = arith.andi %get3A_90, %and3A_95 : vector<16xi32>
    tpu.vector_store_idx %arg20[%shift_right_arithmetic3A_93, %and3A_96], %broadcast_in_dim3A_32 {add = true} : memref<80x128xf32, #tpu.memory_space<vmem>>[vector<16xi32>, vector<16xi32>], vector<16xf32>,
    %get3A_97 = arith.constant 124 : i32
    %get3A_98 = arith.index_cast %get3A_97 : i32 to index
    %get3A_99 = arith.constant 64 : index
    %get3A_100 = tpu.vector_load %arg9[%get3A_98, %get3A_99] {strides = array<i32>} : memref<125x80xi32, #tpu.memory_space<vmem>>, vector<16xi32>,
    %shift_right_arithmetic3A_101 = arith.constant 7 : i32
    %shift_right_arithmetic3A_102 = vector.broadcast %shift_right_arithmetic3A_101 : i32 to vector<16xi32>
    %shift_right_arithmetic3A_103 = arith.shrsi %get3A_100, %shift_right_arithmetic3A_102 : vector<16xi32>
    %and3A_104 = arith.constant 127 : i32
    %and3A_105 = vector.broadcast %and3A_104 : i32 to vector<16xi32>
    %and3A_106 = arith.andi %get3A_100, %and3A_105 : vector<16xi32>
    tpu.vector_store_idx %arg20[%shift_right_arithmetic3A_103, %and3A_106], %broadcast_in_dim3A_32 {add = true} : memref<80x128xf32, #tpu.memory_space<vmem>>[vector<16xi32>, vector<16xi32>], vector<16xf32>,
    "tpu.region"() ({
      %run_scoped3A_112 = tpu.sem_alloc : memref<!tpu.dma_semaphore, #tpu.memory_space<semaphore_mem>>
      %dma_start3A_113 = arith.constant 0 : i32
      %dma_start3A_114 = arith.constant 0 : i32
      %dma_start3A_115 = tpu.memref_slice %arg12[%dma_start3A_113, %dma_start3A_114] : memref<10368x128xf32, #tpu.memory_space<vmem_shared>> -> memref<10368x128xf32, #tpu.memory_space<vmem_shared>>
      tpu.enqueue_indirect_dma source(%arg20 : memref<80x128xf32, #tpu.memory_space<vmem>>) target(%dma_start3A_115 : memref<10368x128xf32, #tpu.memory_space<vmem_shared>>) offsets(%arg21 : memref<80xi32, #tpu.memory_space<vmem>>) semaphore(%run_scoped3A_112 : memref<!tpu.dma_semaphore, #tpu.memory_space<semaphore_mem>>) {add = true}
      %dma_wait3A_116 = arith.constant 0 : i32
      %dma_wait3A_117 = arith.constant 0 : i32
      %dma_wait3A_118 = tpu.memref_slice %arg12[%dma_wait3A_116, %dma_wait3A_117] : memref<10368x128xf32, #tpu.memory_space<vmem_shared>> -> memref<10368x128xf32, #tpu.memory_space<vmem_shared>>
      tpu.wait_indirect_dma semaphore(%run_scoped3A_112 : memref<!tpu.dma_semaphore, #tpu.memory_space<semaphore_mem>>) src(%arg20 : memref<80x128xf32, #tpu.memory_space<vmem>>) dst(%dma_wait3A_118 : memref<10368x128xf32, #tpu.memory_space<vmem_shared>>)
      tpu.yield
    }) : () -> ()
    %barrier3A_107 = arith.constant 0 : index
    tpu.barrier barrier_id(%barrier3A_107)
    %mul3A_108 = arith.constant 648 : i32
    %mul3A_109 = arith.muli %arg1, %mul3A_108 : i32
    %mul3A_110 = arith.constant 648 : i32
    %mul3A_111 = arith.muli %arg1, %mul3A_110 : i32
    "tpu.region"() ({
      %run_scoped3A_112 = tpu.sem_alloc : memref<!tpu.dma_semaphore, #tpu.memory_space<semaphore_mem>>
      %dma_start3A_113 = arith.constant 0 : i32
      %dma_start3A_114 = tpu.memref_slice %arg6[%arg0, %mul3A_111, %dma_start3A_113] : memref<2x10368x128xf32, #tpu.memory_space<hbm>> -> memref<1x648x128xf32, #tpu.memory_space<hbm>>
      %dma_start3A_115 = tpu.memref_squeeze %dma_start3A_114 : memref<1x648x128xf32, #tpu.memory_space<hbm>> -> memref<648x128xf32, #tpu.memory_space<hbm>>
      %dma_start3A_116 = arith.constant 0 : i32
      %dma_start3A_117 = tpu.memref_slice %arg12[%mul3A_109, %dma_start3A_116] : memref<10368x128xf32, #tpu.memory_space<vmem_shared>> -> memref<648x128xf32, #tpu.memory_space<vmem_shared>>
      tpu.enqueue_dma source(%dma_start3A_117 : memref<648x128xf32, #tpu.memory_space<vmem_shared>>) target(%dma_start3A_115 : memref<648x128xf32, #tpu.memory_space<hbm>>) target_semaphore(%run_scoped3A_112 : memref<!tpu.dma_semaphore, #tpu.memory_space<semaphore_mem>>)
      %dma_wait3A_118 = arith.constant 0 : i32
      %dma_wait3A_119 = tpu.memref_slice %arg6[%arg0, %mul3A_111, %dma_wait3A_118] : memref<2x10368x128xf32, #tpu.memory_space<hbm>> -> memref<1x648x128xf32, #tpu.memory_space<hbm>>
      %dma_wait3A_120 = tpu.memref_squeeze %dma_wait3A_119 : memref<1x648x128xf32, #tpu.memory_space<hbm>> -> memref<648x128xf32, #tpu.memory_space<hbm>>
      %dma_wait3A_121 = arith.constant 0 : i32
      %dma_wait3A_122 = tpu.memref_slice %arg12[%mul3A_109, %dma_wait3A_121] : memref<10368x128xf32, #tpu.memory_space<vmem_shared>> -> memref<648x128xf32, #tpu.memory_space<vmem_shared>>
      tpu.wait_dma2 semaphore(%run_scoped3A_112 : memref<!tpu.dma_semaphore, #tpu.memory_space<semaphore_mem>>) src(%dma_wait3A_122 : memref<648x128xf32, #tpu.memory_space<vmem_shared>>) dst(%dma_wait3A_120 : memref<648x128xf32, #tpu.memory_space<hbm>>)
      tpu.yield
    }) : () -> ()
    return
  }
}

#map = affine_map<(d0, d1) -> (0, 0)>
#map1 = affine_map<(d0, d1) -> (0, 0, 0)>
module attributes {stable_mosaic.version = 14 : i64} {
  func.func @agg(%arg0: i32, %arg1: i32, %arg2: memref<10240x128xf32, #tpu.memory_space<hbm>>, %arg3: memref<32x125x80xi32, #tpu.memory_space<hbm>>, %arg4: memref<32x125x80xi32, #tpu.memory_space<hbm>>, %arg5: memref<640x128xf32, #tpu.memory_space<hbm>>, %arg6: memref<2x10240x128xf32, #tpu.memory_space<hbm>>, %arg7: memref<80xi32, #tpu.memory_space<vmem>>, %arg8: memref<80xi32, #tpu.memory_space<vmem>>, %arg9: memref<125x80xi32, #tpu.memory_space<vmem>>, %arg10: memref<80x128xf32, #tpu.memory_space<vmem>>, %arg11: memref<80x128xf32, #tpu.memory_space<vmem>>, %arg12: memref<10240x128xf32, #tpu.memory_space<vmem_shared>>, %arg13: memref<!tpu.dma_semaphore, #tpu.memory_space<semaphore_mem>>, %arg14: memref<!tpu.dma_semaphore, #tpu.memory_space<semaphore_mem>>, %arg15: memref<!tpu.dma_semaphore, #tpu.memory_space<semaphore_mem>>, %arg16: memref<!tpu.dma_semaphore, #tpu.memory_space<semaphore_mem>>, %arg17: memref<!tpu.dma_semaphore, #tpu.memory_space<semaphore_mem>>, %arg18: memref<!tpu.dma_semaphore, #tpu.memory_space<semaphore_mem>>, %arg19: memref<!tpu.dma_semaphore, #tpu.memory_space<semaphore_mem>>) attributes {dimension_semantics = [#tpu.dimension_semantics<core_parallel>, #tpu.dimension_semantics<subcore_parallel>], iteration_bounds = array<i64: 2, 16>, scalar_prefetch = 0 : i64, scratch_operands = 13 : i64, tpu.core_type = #tpu.core_type<sc_vector_subcore>, window_params = [{transform_indices = #map}, {transform_indices = #map1}, {transform_indices = #map1}, {transform_indices = #map}, {transform_indices = #map1}]} {
    %mul3A = arith.constant 2 : i32
    %mul3A_0 = arith.muli %arg1, %mul3A : i32
    %add3A = arith.addi %mul3A_0, %arg0 : i32
    %mul3A_1 = arith.constant 640 : i32
    %mul3A_2 = arith.muli %arg1, %mul3A_1 : i32
    %dma_start3A = arith.constant 0 : i32
    %dma_start3A_3 = tpu.memref_slice %arg12[%mul3A_2, %dma_start3A] : memref<10240x128xf32, #tpu.memory_space<vmem_shared>> -> memref<640x128xf32, #tpu.memory_space<vmem_shared>>
    tpu.enqueue_dma source(%arg5 : memref<640x128xf32, #tpu.memory_space<hbm>>) target(%dma_start3A_3 : memref<640x128xf32, #tpu.memory_space<vmem_shared>>) target_semaphore(%arg19 : memref<!tpu.dma_semaphore, #tpu.memory_space<semaphore_mem>>)
    "tpu.region"() ({
      %run_scoped3A_37 = tpu.sem_alloc : memref<!tpu.dma_semaphore, #tpu.memory_space<semaphore_mem>>
      %dma_start3A_38 = arith.constant 0 : i32
      %dma_start3A_39 = arith.constant 0 : i32
      %dma_start3A_40 = tpu.memref_slice %arg4[%add3A, %dma_start3A_38, %dma_start3A_39] : memref<32x125x80xi32, #tpu.memory_space<hbm>> -> memref<1x125x80xi32, #tpu.memory_space<hbm>>
      %dma_start3A_41 = tpu.memref_squeeze %dma_start3A_40 : memref<1x125x80xi32, #tpu.memory_space<hbm>> -> memref<125x80xi32, #tpu.memory_space<hbm>>
      %dma_start3A_42 = arith.constant 0 : i32
      %dma_start3A_43 = arith.constant 0 : i32
      %dma_start3A_44 = tpu.memref_slice %arg4[%add3A, %dma_start3A_42, %dma_start3A_43] : memref<32x125x80xi32, #tpu.memory_space<hbm>> -> memref<1x125x80xi32, #tpu.memory_space<hbm>>
      %dma_start3A_45 = tpu.memref_squeeze %dma_start3A_44 : memref<1x125x80xi32, #tpu.memory_space<hbm>> -> memref<125x80xi32, #tpu.memory_space<hbm>>
      tpu.enqueue_dma source(%dma_start3A_45 : memref<125x80xi32, #tpu.memory_space<hbm>>) target(%arg9 : memref<125x80xi32, #tpu.memory_space<vmem>>) target_semaphore(%run_scoped3A_37 : memref<!tpu.dma_semaphore, #tpu.memory_space<semaphore_mem>>)
      %dma_wait3A_46 = arith.constant 0 : i32
      %dma_wait3A_47 = arith.constant 0 : i32
      %dma_wait3A_48 = tpu.memref_slice %arg4[%add3A, %dma_wait3A_46, %dma_wait3A_47] : memref<32x125x80xi32, #tpu.memory_space<hbm>> -> memref<1x125x80xi32, #tpu.memory_space<hbm>>
      %dma_wait3A_49 = tpu.memref_squeeze %dma_wait3A_48 : memref<1x125x80xi32, #tpu.memory_space<hbm>> -> memref<125x80xi32, #tpu.memory_space<hbm>>
      %dma_wait3A_50 = arith.constant 0 : i32
      %dma_wait3A_51 = arith.constant 0 : i32
      %dma_wait3A_52 = tpu.memref_slice %arg4[%add3A, %dma_wait3A_50, %dma_wait3A_51] : memref<32x125x80xi32, #tpu.memory_space<hbm>> -> memref<1x125x80xi32, #tpu.memory_space<hbm>>
      %dma_wait3A_53 = tpu.memref_squeeze %dma_wait3A_52 : memref<1x125x80xi32, #tpu.memory_space<hbm>> -> memref<125x80xi32, #tpu.memory_space<hbm>>
      tpu.wait_dma2 semaphore(%run_scoped3A_37 : memref<!tpu.dma_semaphore, #tpu.memory_space<semaphore_mem>>) src(%dma_wait3A_53 : memref<125x80xi32, #tpu.memory_space<hbm>>) dst(%arg9 : memref<125x80xi32, #tpu.memory_space<vmem>>)
      tpu.yield
    }) : () -> ()
    %broadcast_in_dim3A = arith.constant 1.000000e+00 : f32
    %broadcast_in_dim3A_4 = vector.broadcast %broadcast_in_dim3A : f32 to vector<16xf32>
    %run_scoped3A = arith.constant 0 : i32
    "tpu.region"() ({
      %run_scoped3A_37 = tpu.sem_alloc : memref<!tpu.dma_semaphore, #tpu.memory_space<semaphore_mem>>
      %dma_start3A_38 = arith.constant 0 : i32
      %dma_start3A_39 = tpu.memref_slice %arg3[%add3A, %run_scoped3A, %dma_start3A_38] : memref<32x125x80xi32, #tpu.memory_space<hbm>> -> memref<1x1x80xi32, #tpu.memory_space<hbm>>
      %dma_start3A_40 = tpu.memref_squeeze %dma_start3A_39 : memref<1x1x80xi32, #tpu.memory_space<hbm>> -> memref<80xi32, #tpu.memory_space<hbm>>
      %dma_start3A_41 = arith.constant 0 : i32
      %dma_start3A_42 = tpu.memref_slice %arg3[%add3A, %run_scoped3A, %dma_start3A_41] : memref<32x125x80xi32, #tpu.memory_space<hbm>> -> memref<1x1x80xi32, #tpu.memory_space<hbm>>
      %dma_start3A_43 = tpu.memref_squeeze %dma_start3A_42 : memref<1x1x80xi32, #tpu.memory_space<hbm>> -> memref<80xi32, #tpu.memory_space<hbm>>
      tpu.enqueue_dma source(%dma_start3A_43 : memref<80xi32, #tpu.memory_space<hbm>>) target(%arg7 : memref<80xi32, #tpu.memory_space<vmem>>) target_semaphore(%run_scoped3A_37 : memref<!tpu.dma_semaphore, #tpu.memory_space<semaphore_mem>>)
      %dma_wait3A_44 = arith.constant 0 : i32
      %dma_wait3A_45 = tpu.memref_slice %arg3[%add3A, %run_scoped3A, %dma_wait3A_44] : memref<32x125x80xi32, #tpu.memory_space<hbm>> -> memref<1x1x80xi32, #tpu.memory_space<hbm>>
      %dma_wait3A_46 = tpu.memref_squeeze %dma_wait3A_45 : memref<1x1x80xi32, #tpu.memory_space<hbm>> -> memref<80xi32, #tpu.memory_space<hbm>>
      %dma_wait3A_47 = arith.constant 0 : i32
      %dma_wait3A_48 = tpu.memref_slice %arg3[%add3A, %run_scoped3A, %dma_wait3A_47] : memref<32x125x80xi32, #tpu.memory_space<hbm>> -> memref<1x1x80xi32, #tpu.memory_space<hbm>>
      %dma_wait3A_49 = tpu.memref_squeeze %dma_wait3A_48 : memref<1x1x80xi32, #tpu.memory_space<hbm>> -> memref<80xi32, #tpu.memory_space<hbm>>
      tpu.wait_dma2 semaphore(%run_scoped3A_37 : memref<!tpu.dma_semaphore, #tpu.memory_space<semaphore_mem>>) src(%dma_wait3A_49 : memref<80xi32, #tpu.memory_space<hbm>>) dst(%arg7 : memref<80xi32, #tpu.memory_space<vmem>>)
      tpu.yield
    }) : () -> ()
    %dma_start3A_5 = arith.constant 0 : i32
    %dma_start3A_6 = arith.constant 0 : i32
    %dma_start3A_7 = tpu.memref_slice %arg2[%dma_start3A_5, %dma_start3A_6] : memref<10240x128xf32, #tpu.memory_space<hbm>> -> memref<10240x128xf32, #tpu.memory_space<hbm>>
    tpu.enqueue_indirect_dma source(%dma_start3A_7 : memref<10240x128xf32, #tpu.memory_space<hbm>>) target(%arg10 : memref<80x128xf32, #tpu.memory_space<vmem>>) offsets(%arg7 : memref<80xi32, #tpu.memory_space<vmem>>) semaphore(%arg13 : memref<!tpu.dma_semaphore, #tpu.memory_space<semaphore_mem>>)
    %dma_start3A_8 = arith.constant 1 : i32
    %dma_start3A_9 = arith.constant 0 : i32
    %dma_start3A_10 = tpu.memref_slice %arg3[%add3A, %dma_start3A_8, %dma_start3A_9] : memref<32x125x80xi32, #tpu.memory_space<hbm>> -> memref<1x1x80xi32, #tpu.memory_space<hbm>>
    %dma_start3A_11 = tpu.memref_squeeze %dma_start3A_10 : memref<1x1x80xi32, #tpu.memory_space<hbm>> -> memref<80xi32, #tpu.memory_space<hbm>>
    %dma_start3A_12 = arith.constant 0 : i32
    %dma_start3A_13 = tpu.memref_slice %arg3[%add3A, %dma_start3A_8, %dma_start3A_12] : memref<32x125x80xi32, #tpu.memory_space<hbm>> -> memref<1x1x80xi32, #tpu.memory_space<hbm>>
    %dma_start3A_14 = tpu.memref_squeeze %dma_start3A_13 : memref<1x1x80xi32, #tpu.memory_space<hbm>> -> memref<80xi32, #tpu.memory_space<hbm>>
    tpu.enqueue_dma source(%dma_start3A_14 : memref<80xi32, #tpu.memory_space<hbm>>) target(%arg8 : memref<80xi32, #tpu.memory_space<vmem>>) target_semaphore(%arg18 : memref<!tpu.dma_semaphore, #tpu.memory_space<semaphore_mem>>)
    %dma_wait3A = arith.constant 0 : i32
    %dma_wait3A_15 = tpu.memref_slice %arg12[%mul3A_2, %dma_wait3A] : memref<10240x128xf32, #tpu.memory_space<vmem_shared>> -> memref<640x128xf32, #tpu.memory_space<vmem_shared>>
    tpu.wait_dma2 semaphore(%arg19 : memref<!tpu.dma_semaphore, #tpu.memory_space<semaphore_mem>>) src(%arg5 : memref<640x128xf32, #tpu.memory_space<hbm>>) dst(%dma_wait3A_15 : memref<640x128xf32, #tpu.memory_space<vmem_shared>>)
    %barrier3A = arith.constant 0 : index
    tpu.barrier barrier_id(%barrier3A)
    %scan3A = arith.constant 0 : i32
    %scan3A_16 = arith.constant 0 : i32
    %scan3A_17 = arith.constant 62 : i32
    %scan3A_18 = arith.addi %scan3A_16, %scan3A_17 : i32
    %scan3A_19 = arith.constant 1 : i32
    scf.for %scan3A_37 = %scan3A_16 to %scan3A_18 step %scan3A_19  : i32 {
      %mul3A_38 = arith.constant 2 : i32
      %mul3A_39 = arith.muli %mul3A_38, %scan3A_37 : i32
      %gt3A = arith.constant 0 : i32
      %gt3A_40 = arith.cmpi sgt, %mul3A_39, %gt3A : i32
      %convert_element_type3A = arith.extui %gt3A_40 : i1 to i32
      %cond3A = arith.constant 0 : i32
      %cond3A_41 = arith.cmpi ne, %convert_element_type3A, %cond3A : i32
      scf.if %cond3A_41 {
        %sub3A = arith.constant 1 : i32
        %sub3A_102 = arith.subi %mul3A_39, %sub3A : i32
        %dma_wait3A_103 = arith.constant 0 : i32
        %dma_wait3A_104 = tpu.memref_slice %arg9[%sub3A_102, %dma_wait3A_103] : memref<125x80xi32, #tpu.memory_space<vmem>> -> memref<1x80xi32, #tpu.memory_space<vmem>>
        %dma_wait3A_105 = tpu.memref_squeeze %dma_wait3A_104 : memref<1x80xi32, #tpu.memory_space<vmem>> -> memref<80xi32, #tpu.memory_space<vmem>>
        %dma_wait3A_106 = arith.constant 0 : i32
        %dma_wait3A_107 = arith.constant 0 : i32
        %dma_wait3A_108 = tpu.memref_slice %arg12[%dma_wait3A_106, %dma_wait3A_107] : memref<10240x128xf32, #tpu.memory_space<vmem_shared>> -> memref<10240x128xf32, #tpu.memory_space<vmem_shared>>
        tpu.wait_indirect_dma semaphore(%arg16 : memref<!tpu.dma_semaphore, #tpu.memory_space<semaphore_mem>>) src(%arg11 : memref<80x128xf32, #tpu.memory_space<vmem>>) dst(%dma_wait3A_108 : memref<10240x128xf32, #tpu.memory_space<vmem_shared>>)
      } else {
      }
      %add3A_42 = arith.constant 1 : i32
      %add3A_43 = arith.addi %mul3A_39, %add3A_42 : i32
      %dma_wait3A_44 = arith.constant 0 : i32
      %dma_wait3A_45 = tpu.memref_slice %arg3[%add3A, %add3A_43, %dma_wait3A_44] : memref<32x125x80xi32, #tpu.memory_space<hbm>> -> memref<1x1x80xi32, #tpu.memory_space<hbm>>
      %dma_wait3A_46 = tpu.memref_squeeze %dma_wait3A_45 : memref<1x1x80xi32, #tpu.memory_space<hbm>> -> memref<80xi32, #tpu.memory_space<hbm>>
      %dma_wait3A_47 = arith.constant 0 : i32
      %dma_wait3A_48 = tpu.memref_slice %arg3[%add3A, %add3A_43, %dma_wait3A_47] : memref<32x125x80xi32, #tpu.memory_space<hbm>> -> memref<1x1x80xi32, #tpu.memory_space<hbm>>
      %dma_wait3A_49 = tpu.memref_squeeze %dma_wait3A_48 : memref<1x1x80xi32, #tpu.memory_space<hbm>> -> memref<80xi32, #tpu.memory_space<hbm>>
      tpu.wait_dma2 semaphore(%arg18 : memref<!tpu.dma_semaphore, #tpu.memory_space<semaphore_mem>>) src(%dma_wait3A_49 : memref<80xi32, #tpu.memory_space<hbm>>) dst(%arg8 : memref<80xi32, #tpu.memory_space<vmem>>)
      %dma_start3A_50 = arith.constant 0 : i32
      %dma_start3A_51 = arith.constant 0 : i32
      %dma_start3A_52 = tpu.memref_slice %arg2[%dma_start3A_50, %dma_start3A_51] : memref<10240x128xf32, #tpu.memory_space<hbm>> -> memref<10240x128xf32, #tpu.memory_space<hbm>>
      tpu.enqueue_indirect_dma source(%dma_start3A_52 : memref<10240x128xf32, #tpu.memory_space<hbm>>) target(%arg11 : memref<80x128xf32, #tpu.memory_space<vmem>>) offsets(%arg8 : memref<80xi32, #tpu.memory_space<vmem>>) semaphore(%arg14 : memref<!tpu.dma_semaphore, #tpu.memory_space<semaphore_mem>>)
      %dma_wait3A_53 = arith.constant 0 : i32
      %dma_wait3A_54 = arith.constant 0 : i32
      %dma_wait3A_55 = tpu.memref_slice %arg2[%dma_wait3A_53, %dma_wait3A_54] : memref<10240x128xf32, #tpu.memory_space<hbm>> -> memref<10240x128xf32, #tpu.memory_space<hbm>>
      tpu.wait_indirect_dma semaphore(%arg13 : memref<!tpu.dma_semaphore, #tpu.memory_space<semaphore_mem>>) src(%dma_wait3A_55 : memref<10240x128xf32, #tpu.memory_space<hbm>>) dst(%arg10 : memref<80x128xf32, #tpu.memory_space<vmem>>)
      %add3A_56 = arith.constant 2 : i32
      %add3A_57 = arith.addi %mul3A_39, %add3A_56 : i32
      %lt3A = arith.constant 125 : i32
      %lt3A_58 = arith.cmpi slt, %add3A_57, %lt3A : i32
      %convert_element_type3A_59 = arith.extui %lt3A_58 : i1 to i32
      %cond3A_60 = arith.constant 0 : i32
      %cond3A_61 = arith.cmpi ne, %convert_element_type3A_59, %cond3A_60 : i32
      scf.if %cond3A_61 {
        %add3A_102 = arith.constant 2 : i32
        %add3A_103 = arith.addi %mul3A_39, %add3A_102 : i32
        %dma_start3A_104 = arith.constant 0 : i32
        %dma_start3A_105 = tpu.memref_slice %arg3[%add3A, %add3A_103, %dma_start3A_104] : memref<32x125x80xi32, #tpu.memory_space<hbm>> -> memref<1x1x80xi32, #tpu.memory_space<hbm>>
        %dma_start3A_106 = tpu.memref_squeeze %dma_start3A_105 : memref<1x1x80xi32, #tpu.memory_space<hbm>> -> memref<80xi32, #tpu.memory_space<hbm>>
        %dma_start3A_107 = arith.constant 0 : i32
        %dma_start3A_108 = tpu.memref_slice %arg3[%add3A, %add3A_103, %dma_start3A_107] : memref<32x125x80xi32, #tpu.memory_space<hbm>> -> memref<1x1x80xi32, #tpu.memory_space<hbm>>
        %dma_start3A_109 = tpu.memref_squeeze %dma_start3A_108 : memref<1x1x80xi32, #tpu.memory_space<hbm>> -> memref<80xi32, #tpu.memory_space<hbm>>
        tpu.enqueue_dma source(%dma_start3A_109 : memref<80xi32, #tpu.memory_space<hbm>>) target(%arg7 : memref<80xi32, #tpu.memory_space<vmem>>) target_semaphore(%arg17 : memref<!tpu.dma_semaphore, #tpu.memory_space<semaphore_mem>>)
      } else {
      }
      %dma_start3A_62 = arith.constant 0 : i32
      %dma_start3A_63 = tpu.memref_slice %arg9[%mul3A_39, %dma_start3A_62] : memref<125x80xi32, #tpu.memory_space<vmem>> -> memref<1x80xi32, #tpu.memory_space<vmem>>
      %dma_start3A_64 = tpu.memref_squeeze %dma_start3A_63 : memref<1x80xi32, #tpu.memory_space<vmem>> -> memref<80xi32, #tpu.memory_space<vmem>>
      %dma_start3A_65 = arith.constant 0 : i32
      %dma_start3A_66 = arith.constant 0 : i32
      %dma_start3A_67 = tpu.memref_slice %arg12[%dma_start3A_65, %dma_start3A_66] : memref<10240x128xf32, #tpu.memory_space<vmem_shared>> -> memref<10240x128xf32, #tpu.memory_space<vmem_shared>>
      tpu.enqueue_indirect_dma source(%arg10 : memref<80x128xf32, #tpu.memory_space<vmem>>) target(%dma_start3A_67 : memref<10240x128xf32, #tpu.memory_space<vmem_shared>>) offsets(%dma_start3A_64 : memref<80xi32, #tpu.memory_space<vmem>>) semaphore(%arg15 : memref<!tpu.dma_semaphore, #tpu.memory_space<semaphore_mem>>) {add = true}
      %add3A_68 = arith.constant 1 : i32
      %add3A_69 = arith.addi %mul3A_39, %add3A_68 : i32
      %gt3A_70 = arith.constant 0 : i32
      %gt3A_71 = arith.cmpi sgt, %add3A_69, %gt3A_70 : i32
      %convert_element_type3A_72 = arith.extui %gt3A_71 : i1 to i32
      %cond3A_73 = arith.constant 0 : i32
      %cond3A_74 = arith.cmpi ne, %convert_element_type3A_72, %cond3A_73 : i32
      scf.if %cond3A_74 {
        %sub3A = arith.constant 1 : i32
        %sub3A_102 = arith.subi %add3A_69, %sub3A : i32
        %dma_wait3A_103 = arith.constant 0 : i32
        %dma_wait3A_104 = tpu.memref_slice %arg9[%sub3A_102, %dma_wait3A_103] : memref<125x80xi32, #tpu.memory_space<vmem>> -> memref<1x80xi32, #tpu.memory_space<vmem>>
        %dma_wait3A_105 = tpu.memref_squeeze %dma_wait3A_104 : memref<1x80xi32, #tpu.memory_space<vmem>> -> memref<80xi32, #tpu.memory_space<vmem>>
        %dma_wait3A_106 = arith.constant 0 : i32
        %dma_wait3A_107 = arith.constant 0 : i32
        %dma_wait3A_108 = tpu.memref_slice %arg12[%dma_wait3A_106, %dma_wait3A_107] : memref<10240x128xf32, #tpu.memory_space<vmem_shared>> -> memref<10240x128xf32, #tpu.memory_space<vmem_shared>>
        tpu.wait_indirect_dma semaphore(%arg15 : memref<!tpu.dma_semaphore, #tpu.memory_space<semaphore_mem>>) src(%arg10 : memref<80x128xf32, #tpu.memory_space<vmem>>) dst(%dma_wait3A_108 : memref<10240x128xf32, #tpu.memory_space<vmem_shared>>)
      } else {
      }
      %add3A_75 = arith.constant 1 : i32
      %add3A_76 = arith.addi %add3A_69, %add3A_75 : i32
      %dma_wait3A_77 = arith.constant 0 : i32
      %dma_wait3A_78 = tpu.memref_slice %arg3[%add3A, %add3A_76, %dma_wait3A_77] : memref<32x125x80xi32, #tpu.memory_space<hbm>> -> memref<1x1x80xi32, #tpu.memory_space<hbm>>
      %dma_wait3A_79 = tpu.memref_squeeze %dma_wait3A_78 : memref<1x1x80xi32, #tpu.memory_space<hbm>> -> memref<80xi32, #tpu.memory_space<hbm>>
      %dma_wait3A_80 = arith.constant 0 : i32
      %dma_wait3A_81 = tpu.memref_slice %arg3[%add3A, %add3A_76, %dma_wait3A_80] : memref<32x125x80xi32, #tpu.memory_space<hbm>> -> memref<1x1x80xi32, #tpu.memory_space<hbm>>
      %dma_wait3A_82 = tpu.memref_squeeze %dma_wait3A_81 : memref<1x1x80xi32, #tpu.memory_space<hbm>> -> memref<80xi32, #tpu.memory_space<hbm>>
      tpu.wait_dma2 semaphore(%arg17 : memref<!tpu.dma_semaphore, #tpu.memory_space<semaphore_mem>>) src(%dma_wait3A_82 : memref<80xi32, #tpu.memory_space<hbm>>) dst(%arg7 : memref<80xi32, #tpu.memory_space<vmem>>)
      %dma_start3A_83 = arith.constant 0 : i32
      %dma_start3A_84 = arith.constant 0 : i32
      %dma_start3A_85 = tpu.memref_slice %arg2[%dma_start3A_83, %dma_start3A_84] : memref<10240x128xf32, #tpu.memory_space<hbm>> -> memref<10240x128xf32, #tpu.memory_space<hbm>>
      tpu.enqueue_indirect_dma source(%dma_start3A_85 : memref<10240x128xf32, #tpu.memory_space<hbm>>) target(%arg10 : memref<80x128xf32, #tpu.memory_space<vmem>>) offsets(%arg7 : memref<80xi32, #tpu.memory_space<vmem>>) semaphore(%arg13 : memref<!tpu.dma_semaphore, #tpu.memory_space<semaphore_mem>>)
      %dma_wait3A_86 = arith.constant 0 : i32
      %dma_wait3A_87 = arith.constant 0 : i32
      %dma_wait3A_88 = tpu.memref_slice %arg2[%dma_wait3A_86, %dma_wait3A_87] : memref<10240x128xf32, #tpu.memory_space<hbm>> -> memref<10240x128xf32, #tpu.memory_space<hbm>>
      tpu.wait_indirect_dma semaphore(%arg14 : memref<!tpu.dma_semaphore, #tpu.memory_space<semaphore_mem>>) src(%dma_wait3A_88 : memref<10240x128xf32, #tpu.memory_space<hbm>>) dst(%arg11 : memref<80x128xf32, #tpu.memory_space<vmem>>)
      %add3A_89 = arith.constant 2 : i32
      %add3A_90 = arith.addi %add3A_69, %add3A_89 : i32
      %lt3A_91 = arith.constant 125 : i32
      %lt3A_92 = arith.cmpi slt, %add3A_90, %lt3A_91 : i32
      %convert_element_type3A_93 = arith.extui %lt3A_92 : i1 to i32
      %cond3A_94 = arith.constant 0 : i32
      %cond3A_95 = arith.cmpi ne, %convert_element_type3A_93, %cond3A_94 : i32
      scf.if %cond3A_95 {
        %add3A_102 = arith.constant 2 : i32
        %add3A_103 = arith.addi %add3A_69, %add3A_102 : i32
        %dma_start3A_104 = arith.constant 0 : i32
        %dma_start3A_105 = tpu.memref_slice %arg3[%add3A, %add3A_103, %dma_start3A_104] : memref<32x125x80xi32, #tpu.memory_space<hbm>> -> memref<1x1x80xi32, #tpu.memory_space<hbm>>
        %dma_start3A_106 = tpu.memref_squeeze %dma_start3A_105 : memref<1x1x80xi32, #tpu.memory_space<hbm>> -> memref<80xi32, #tpu.memory_space<hbm>>
        %dma_start3A_107 = arith.constant 0 : i32
        %dma_start3A_108 = tpu.memref_slice %arg3[%add3A, %add3A_103, %dma_start3A_107] : memref<32x125x80xi32, #tpu.memory_space<hbm>> -> memref<1x1x80xi32, #tpu.memory_space<hbm>>
        %dma_start3A_109 = tpu.memref_squeeze %dma_start3A_108 : memref<1x1x80xi32, #tpu.memory_space<hbm>> -> memref<80xi32, #tpu.memory_space<hbm>>
        tpu.enqueue_dma source(%dma_start3A_109 : memref<80xi32, #tpu.memory_space<hbm>>) target(%arg8 : memref<80xi32, #tpu.memory_space<vmem>>) target_semaphore(%arg18 : memref<!tpu.dma_semaphore, #tpu.memory_space<semaphore_mem>>)
      } else {
      }
      %dma_start3A_96 = arith.constant 0 : i32
      %dma_start3A_97 = tpu.memref_slice %arg9[%add3A_69, %dma_start3A_96] : memref<125x80xi32, #tpu.memory_space<vmem>> -> memref<1x80xi32, #tpu.memory_space<vmem>>
      %dma_start3A_98 = tpu.memref_squeeze %dma_start3A_97 : memref<1x80xi32, #tpu.memory_space<vmem>> -> memref<80xi32, #tpu.memory_space<vmem>>
      %dma_start3A_99 = arith.constant 0 : i32
      %dma_start3A_100 = arith.constant 0 : i32
      %dma_start3A_101 = tpu.memref_slice %arg12[%dma_start3A_99, %dma_start3A_100] : memref<10240x128xf32, #tpu.memory_space<vmem_shared>> -> memref<10240x128xf32, #tpu.memory_space<vmem_shared>>
      tpu.enqueue_indirect_dma source(%arg11 : memref<80x128xf32, #tpu.memory_space<vmem>>) target(%dma_start3A_101 : memref<10240x128xf32, #tpu.memory_space<vmem_shared>>) offsets(%dma_start3A_98 : memref<80xi32, #tpu.memory_space<vmem>>) semaphore(%arg16 : memref<!tpu.dma_semaphore, #tpu.memory_space<semaphore_mem>>) {add = true}
    }
    %scan3A_20 = arith.constant 62 : i32
    %dma_wait3A_21 = arith.constant 123 : i32
    %dma_wait3A_22 = arith.constant 0 : i32
    %dma_wait3A_23 = tpu.memref_slice %arg9[%dma_wait3A_21, %dma_wait3A_22] : memref<125x80xi32, #tpu.memory_space<vmem>> -> memref<1x80xi32, #tpu.memory_space<vmem>>
    %dma_wait3A_24 = tpu.memref_squeeze %dma_wait3A_23 : memref<1x80xi32, #tpu.memory_space<vmem>> -> memref<80xi32, #tpu.memory_space<vmem>>
    %dma_wait3A_25 = arith.constant 0 : i32
    %dma_wait3A_26 = arith.constant 0 : i32
    %dma_wait3A_27 = tpu.memref_slice %arg12[%dma_wait3A_25, %dma_wait3A_26] : memref<10240x128xf32, #tpu.memory_space<vmem_shared>> -> memref<10240x128xf32, #tpu.memory_space<vmem_shared>>
    tpu.wait_indirect_dma semaphore(%arg16 : memref<!tpu.dma_semaphore, #tpu.memory_space<semaphore_mem>>) src(%arg11 : memref<80x128xf32, #tpu.memory_space<vmem>>) dst(%dma_wait3A_27 : memref<10240x128xf32, #tpu.memory_space<vmem_shared>>)
    %dma_wait3A_28 = arith.constant 0 : i32
    %dma_wait3A_29 = arith.constant 0 : i32
    %dma_wait3A_30 = tpu.memref_slice %arg2[%dma_wait3A_28, %dma_wait3A_29] : memref<10240x128xf32, #tpu.memory_space<hbm>> -> memref<10240x128xf32, #tpu.memory_space<hbm>>
    tpu.wait_indirect_dma semaphore(%arg13 : memref<!tpu.dma_semaphore, #tpu.memory_space<semaphore_mem>>) src(%dma_wait3A_30 : memref<10240x128xf32, #tpu.memory_space<hbm>>) dst(%arg10 : memref<80x128xf32, #tpu.memory_space<vmem>>)
    %run_scoped3A_31 = arith.constant 124 : i32
    "tpu.region"() ({
      %run_scoped3A_37 = tpu.sem_alloc : memref<!tpu.dma_semaphore, #tpu.memory_space<semaphore_mem>>
      %dma_start3A_38 = arith.constant 0 : i32
      %dma_start3A_39 = tpu.memref_slice %arg9[%run_scoped3A_31, %dma_start3A_38] : memref<125x80xi32, #tpu.memory_space<vmem>> -> memref<1x80xi32, #tpu.memory_space<vmem>>
      %dma_start3A_40 = tpu.memref_squeeze %dma_start3A_39 : memref<1x80xi32, #tpu.memory_space<vmem>> -> memref<80xi32, #tpu.memory_space<vmem>>
      %dma_start3A_41 = arith.constant 0 : i32
      %dma_start3A_42 = arith.constant 0 : i32
      %dma_start3A_43 = tpu.memref_slice %arg12[%dma_start3A_41, %dma_start3A_42] : memref<10240x128xf32, #tpu.memory_space<vmem_shared>> -> memref<10240x128xf32, #tpu.memory_space<vmem_shared>>
      tpu.enqueue_indirect_dma source(%arg10 : memref<80x128xf32, #tpu.memory_space<vmem>>) target(%dma_start3A_43 : memref<10240x128xf32, #tpu.memory_space<vmem_shared>>) offsets(%dma_start3A_40 : memref<80xi32, #tpu.memory_space<vmem>>) semaphore(%run_scoped3A_37 : memref<!tpu.dma_semaphore, #tpu.memory_space<semaphore_mem>>) {add = true}
      %dma_wait3A_44 = arith.constant 0 : i32
      %dma_wait3A_45 = tpu.memref_slice %arg9[%run_scoped3A_31, %dma_wait3A_44] : memref<125x80xi32, #tpu.memory_space<vmem>> -> memref<1x80xi32, #tpu.memory_space<vmem>>
      %dma_wait3A_46 = tpu.memref_squeeze %dma_wait3A_45 : memref<1x80xi32, #tpu.memory_space<vmem>> -> memref<80xi32, #tpu.memory_space<vmem>>
      %dma_wait3A_47 = arith.constant 0 : i32
      %dma_wait3A_48 = arith.constant 0 : i32
      %dma_wait3A_49 = tpu.memref_slice %arg12[%dma_wait3A_47, %dma_wait3A_48] : memref<10240x128xf32, #tpu.memory_space<vmem_shared>> -> memref<10240x128xf32, #tpu.memory_space<vmem_shared>>
      tpu.wait_indirect_dma semaphore(%run_scoped3A_37 : memref<!tpu.dma_semaphore, #tpu.memory_space<semaphore_mem>>) src(%arg10 : memref<80x128xf32, #tpu.memory_space<vmem>>) dst(%dma_wait3A_49 : memref<10240x128xf32, #tpu.memory_space<vmem_shared>>)
      tpu.yield
    }) : () -> ()
    %barrier3A_32 = arith.constant 0 : index
    tpu.barrier barrier_id(%barrier3A_32)
    %mul3A_33 = arith.constant 640 : i32
    %mul3A_34 = arith.muli %arg1, %mul3A_33 : i32
    %mul3A_35 = arith.constant 640 : i32
    %mul3A_36 = arith.muli %arg1, %mul3A_35 : i32
    "tpu.region"() ({
      %run_scoped3A_37 = tpu.sem_alloc : memref<!tpu.dma_semaphore, #tpu.memory_space<semaphore_mem>>
      %dma_start3A_38 = arith.constant 0 : i32
      %dma_start3A_39 = tpu.memref_slice %arg6[%arg0, %mul3A_36, %dma_start3A_38] : memref<2x10240x128xf32, #tpu.memory_space<hbm>> -> memref<1x640x128xf32, #tpu.memory_space<hbm>>
      %dma_start3A_40 = tpu.memref_squeeze %dma_start3A_39 : memref<1x640x128xf32, #tpu.memory_space<hbm>> -> memref<640x128xf32, #tpu.memory_space<hbm>>
      %dma_start3A_41 = arith.constant 0 : i32
      %dma_start3A_42 = tpu.memref_slice %arg12[%mul3A_34, %dma_start3A_41] : memref<10240x128xf32, #tpu.memory_space<vmem_shared>> -> memref<640x128xf32, #tpu.memory_space<vmem_shared>>
      tpu.enqueue_dma source(%dma_start3A_42 : memref<640x128xf32, #tpu.memory_space<vmem_shared>>) target(%dma_start3A_40 : memref<640x128xf32, #tpu.memory_space<hbm>>) target_semaphore(%run_scoped3A_37 : memref<!tpu.dma_semaphore, #tpu.memory_space<semaphore_mem>>)
      %dma_wait3A_43 = arith.constant 0 : i32
      %dma_wait3A_44 = tpu.memref_slice %arg6[%arg0, %mul3A_36, %dma_wait3A_43] : memref<2x10240x128xf32, #tpu.memory_space<hbm>> -> memref<1x640x128xf32, #tpu.memory_space<hbm>>
      %dma_wait3A_45 = tpu.memref_squeeze %dma_wait3A_44 : memref<1x640x128xf32, #tpu.memory_space<hbm>> -> memref<640x128xf32, #tpu.memory_space<hbm>>
      %dma_wait3A_46 = arith.constant 0 : i32
      %dma_wait3A_47 = tpu.memref_slice %arg12[%mul3A_34, %dma_wait3A_46] : memref<10240x128xf32, #tpu.memory_space<vmem_shared>> -> memref<640x128xf32, #tpu.memory_space<vmem_shared>>
      tpu.wait_dma2 semaphore(%run_scoped3A_37 : memref<!tpu.dma_semaphore, #tpu.memory_space<semaphore_mem>>) src(%dma_wait3A_47 : memref<640x128xf32, #tpu.memory_space<vmem_shared>>) dst(%dma_wait3A_45 : memref<640x128xf32, #tpu.memory_space<hbm>>)
      tpu.yield
    }) : () -> ()
    return
  }
}

module attributes {stable_mosaic.version = 14 : i64} {
  func.func @_layer2_block(%arg0: i32, %arg1: memref<2x2048x128xf32, #tpu.memory_space<vmem>>, %arg2: memref<16x128xf32, #tpu.memory_space<vmem>>, %arg3: memref<2048x128xf32, #tpu.memory_space<vmem>>, %arg4: memref<128x128xf32, #tpu.memory_space<vmem>>, %arg5: memref<1x128xf32, #tpu.memory_space<vmem>>, %arg6: memref<128x128xf32, #tpu.memory_space<vmem>>, %arg7: memref<2048x128xf32, #tpu.memory_space<vmem>>) attributes {dimension_semantics = [#tpu.dimension_semantics<arbitrary>], iteration_bounds = array<i64: 5>, scalar_prefetch = 0 : i64, scratch_operands = 0 : i64, tpu.core_type = #tpu.core_type<tc>, window_params = [{transform_indices = @transform_0, window_bounds = array<i64: 2, 2048, 128>}, {transform_indices = @transform_1, window_bounds = array<i64: 16, 128>}, {transform_indices = @transform_2, window_bounds = array<i64: 2048, 128>}, {pipeline_mode = #tpu.pipeline_mode<synchronous>, transform_indices = @transform_3, window_bounds = array<i64: 128, 128>}, {pipeline_mode = #tpu.pipeline_mode<synchronous>, transform_indices = @transform_4, window_bounds = array<i64: 1, 128>}, {pipeline_mode = #tpu.pipeline_mode<synchronous>, transform_indices = @transform_5, window_bounds = array<i64: 128, 128>}, {transform_indices = @transform_6, window_bounds = array<i64: 2048, 128>}]} {
    %get3A = arith.constant 0 : index
    %get3A_0 = arith.constant 0 : index
    %get3A_1 = arith.constant 0 : index
    %get3A_2 = vector.load %arg1[%get3A, %get3A_0, %get3A_1] : memref<2x2048x128xf32, #tpu.memory_space<vmem>>, vector<1x2048x128xf32>
    %get3A_3 = vector.shape_cast %get3A_2 : vector<1x2048x128xf32> to vector<2048x128xf32>
    %get3A_4 = arith.constant 1 : index
    %get3A_5 = arith.constant 0 : index
    %get3A_6 = arith.constant 0 : index
    %get3A_7 = vector.load %arg1[%get3A_4, %get3A_5, %get3A_6] : memref<2x2048x128xf32, #tpu.memory_space<vmem>>, vector<1x2048x128xf32>
    %get3A_8 = vector.shape_cast %get3A_7 : vector<1x2048x128xf32> to vector<2048x128xf32>
    %add3A = arith.addf %get3A_3, %get3A_8 : vector<2048x128xf32>
    %reshape3A = vector.shape_cast %add3A : vector<2048x128xf32> to vector<16x128x128xf32>
    %get3A_9 = arith.constant 0 : index
    %get3A_10 = arith.constant 0 : index
    %get3A_11 = vector.load %arg2[%get3A_9, %get3A_10] : memref<16x128xf32, #tpu.memory_space<vmem>>, vector<16x128xf32>
    %broadcast_in_dim3A = vector.shape_cast %get3A_11 : vector<16x128xf32> to vector<16x128x1xf32>
    %mul3A = vector.broadcast %broadcast_in_dim3A : vector<16x128x1xf32> to vector<16x128x128xf32>
    %mul3A_12 = arith.mulf %reshape3A, %mul3A : vector<16x128x128xf32>
    %reshape3A_13 = vector.shape_cast %mul3A_12 : vector<16x128x128xf32> to vector<2048x128xf32>
    %get3A_14 = arith.constant 0 : index
    %get3A_15 = arith.constant 0 : index
    %get3A_16 = vector.load %arg4[%get3A_14, %get3A_15] : memref<128x128xf32, #tpu.memory_space<vmem>>, vector<128x128xf32>
    %dot_general3A = arith.constant dense<0.000000e+00> : vector<2048x128xf32>
    %dot_general3A_17 = tpu.matmul %reshape3A_13, %get3A_16, %dot_general3A {dimension_numbers = #tpu.dot_dimension_numbers<[1], [0], [0], [1], [0, 0, 1, 1], [], []>, transpose_lhs_hint = false} : vector<2048x128xf32>, vector<128x128xf32>, vector<2048x128xf32> -> vector<2048x128xf32>
    %get3A_18 = arith.constant 0 : index
    %get3A_19 = arith.constant 0 : index
    %get3A_20 = vector.load %arg5[%get3A_18, %get3A_19] : memref<1x128xf32, #tpu.memory_space<vmem>>, vector<1x128xf32>
    %add3A_21 = vector.broadcast %get3A_20 : vector<1x128xf32> to vector<2048x128xf32>
    %add3A_22 = arith.addf %dot_general3A_17, %add3A_21 : vector<2048x128xf32>
    %get3A_23 = arith.constant 0 : index
    %get3A_24 = arith.constant 0 : index
    %get3A_25 = vector.load %arg3[%get3A_23, %get3A_24] : memref<2048x128xf32, #tpu.memory_space<vmem>>, vector<2048x128xf32>
    %get3A_26 = arith.constant 0 : index
    %get3A_27 = arith.constant 0 : index
    %get3A_28 = vector.load %arg6[%get3A_26, %get3A_27] : memref<128x128xf32, #tpu.memory_space<vmem>>, vector<128x128xf32>
    %dot_general3A_29 = arith.constant dense<0.000000e+00> : vector<2048x128xf32>
    %dot_general3A_30 = tpu.matmul %get3A_25, %get3A_28, %dot_general3A_29 {dimension_numbers = #tpu.dot_dimension_numbers<[1], [0], [0], [1], [0, 0, 1, 1], [], []>, transpose_lhs_hint = false} : vector<2048x128xf32>, vector<128x128xf32>, vector<2048x128xf32> -> vector<2048x128xf32>
    %add3A_31 = arith.addf %add3A_22, %dot_general3A_30 : vector<2048x128xf32>
    %mul3A_32 = arith.mulf %add3A_31, %add3A_31 : vector<2048x128xf32>
    %reduce_sum3A = arith.constant dense<0.000000e+00> : vector<2048xf32>
    %reduce_sum3A_33 = vector.multi_reduction <add>, %mul3A_32, %reduce_sum3A [1] : vector<2048x128xf32> to vector<2048xf32>
    %broadcast_in_dim3A_34 = vector.shape_cast %reduce_sum3A_33 : vector<2048xf32> to vector<2048x1xf32>
    %sqrt3A = math.sqrt %broadcast_in_dim3A_34 : vector<2048x1xf32>
    %max3A = arith.constant 9.99999996E-13 : f32
    %max3A_35 = vector.broadcast %max3A : f32 to vector<2048x1xf32>
    %max3A_36 = arith.maximumf %sqrt3A, %max3A_35 : vector<2048x1xf32>
    %div3A = vector.broadcast %max3A_36 : vector<2048x1xf32> to vector<2048x128xf32>
    %div3A_37 = arith.divf %add3A_31, %div3A : vector<2048x128xf32>
    %max3A_38 = arith.constant 0.000000e+00 : f32
    %max3A_39 = vector.broadcast %max3A_38 : f32 to vector<2048x128xf32>
    %max3A_40 = arith.maximumf %div3A_37, %max3A_39 : vector<2048x128xf32>
    %swap3A = arith.constant 0 : index
    %swap3A_41 = arith.constant 0 : index
    %swap3A_42 = vector.load %arg7[%swap3A, %swap3A_41] : memref<2048x128xf32, #tpu.memory_space<vmem>>, vector<2048x128xf32>
    tpu.vector_store %arg7[%swap3A, %swap3A_41], %max3A_40 {strides = array<i32>} : memref<2048x128xf32, #tpu.memory_space<vmem>>, vector<2048x128xf32>,
    return
  }
  func.func @transform_0(%arg0: i32) -> (i32, i32, i32) {
    %c0_i32 = arith.constant 0 : i32
    %c0_i32_0 = arith.constant 0 : i32
    %c0_i32_1 = arith.constant 0 : i32
    return %c0_i32, %arg0, %c0_i32_0 : i32, i32, i32
  }
  func.func @transform_1(%arg0: i32) -> (i32, i32) {
    %c0_i32 = arith.constant 0 : i32
    %c0_i32_0 = arith.constant 0 : i32
    return %arg0, %c0_i32 : i32, i32
  }
  func.func @transform_2(%arg0: i32) -> (i32, i32) {
    %c0_i32 = arith.constant 0 : i32
    %c0_i32_0 = arith.constant 0 : i32
    return %arg0, %c0_i32 : i32, i32
  }
  func.func @transform_3(%arg0: i32) -> (i32, i32) {
    %c0_i32 = arith.constant 0 : i32
    %c0_i32_0 = arith.constant 0 : i32
    %c0_i32_1 = arith.constant 0 : i32
    return %c0_i32, %c0_i32_0 : i32, i32
  }
  func.func @transform_4(%arg0: i32) -> (i32, i32) {
    %c0_i32 = arith.constant 0 : i32
    %c0_i32_0 = arith.constant 0 : i32
    %c0_i32_1 = arith.constant 0 : i32
    return %c0_i32, %c0_i32_0 : i32, i32
  }
  func.func @transform_5(%arg0: i32) -> (i32, i32) {
    %c0_i32 = arith.constant 0 : i32
    %c0_i32_0 = arith.constant 0 : i32
    %c0_i32_1 = arith.constant 0 : i32
    return %c0_i32, %c0_i32_0 : i32, i32
  }
  func.func @transform_6(%arg0: i32) -> (i32, i32) {
    %c0_i32 = arith.constant 0 : i32
    %c0_i32_0 = arith.constant 0 : i32
    return %arg0, %c0_i32 : i32, i32
  }
}

module attributes {stable_mosaic.version = 14 : i64} {
  func.func @_layer1_block(%arg0: i32, %arg1: memref<2x2048x128xf32, #tpu.memory_space<vmem>>, %arg2: memref<2x16x128xf32, #tpu.memory_space<vmem>>, %arg3: memref<2048x128xf32, #tpu.memory_space<vmem>>, %arg4: memref<128x128xf32, #tpu.memory_space<vmem>>, %arg5: memref<1x128xf32, #tpu.memory_space<vmem>>, %arg6: memref<128x128xf32, #tpu.memory_space<vmem>>, %arg7: memref<2048x128xf32, #tpu.memory_space<vmem>>, %arg8: memref<16x128xf32, #tpu.memory_space<vmem>>) attributes {dimension_semantics = [#tpu.dimension_semantics<arbitrary>], iteration_bounds = array<i64: 5>, scalar_prefetch = 0 : i64, scratch_operands = 0 : i64, tpu.core_type = #tpu.core_type<tc>, window_params = [{transform_indices = @transform_0, window_bounds = array<i64: 2, 2048, 128>}, {transform_indices = @transform_1, window_bounds = array<i64: 2, 16, 128>}, {transform_indices = @transform_2, window_bounds = array<i64: 2048, 128>}, {pipeline_mode = #tpu.pipeline_mode<synchronous>, transform_indices = @transform_3, window_bounds = array<i64: 128, 128>}, {pipeline_mode = #tpu.pipeline_mode<synchronous>, transform_indices = @transform_4, window_bounds = array<i64: 1, 128>}, {pipeline_mode = #tpu.pipeline_mode<synchronous>, transform_indices = @transform_5, window_bounds = array<i64: 128, 128>}, {transform_indices = @transform_6, window_bounds = array<i64: 2048, 128>}, {transform_indices = @transform_7, window_bounds = array<i64: 16, 128>}]} {
    %get3A = arith.constant 0 : index
    %get3A_0 = arith.constant 0 : index
    %get3A_1 = arith.constant 0 : index
    %get3A_2 = vector.load %arg2[%get3A, %get3A_0, %get3A_1] : memref<2x16x128xf32, #tpu.memory_space<vmem>>, vector<1x16x128xf32>
    %get3A_3 = vector.shape_cast %get3A_2 : vector<1x16x128xf32> to vector<16x128xf32>
    %get3A_4 = arith.constant 1 : index
    %get3A_5 = arith.constant 0 : index
    %get3A_6 = arith.constant 0 : index
    %get3A_7 = vector.load %arg2[%get3A_4, %get3A_5, %get3A_6] : memref<2x16x128xf32, #tpu.memory_space<vmem>>, vector<1x16x128xf32>
    %get3A_8 = vector.shape_cast %get3A_7 : vector<1x16x128xf32> to vector<16x128xf32>
    %add3A = arith.addf %get3A_3, %get3A_8 : vector<16x128xf32>
    %max3A = arith.constant 1.000000e+00 : f32
    %max3A_9 = vector.broadcast %max3A : f32 to vector<16x128xf32>
    %max3A_10 = arith.maximumf %add3A, %max3A_9 : vector<16x128xf32>
    %div3A = arith.constant 1.000000e+00 : f32
    %div3A_11 = vector.broadcast %div3A : f32 to vector<16x128xf32>
    %div3A_12 = arith.divf %div3A_11, %max3A_10 : vector<16x128xf32>
    %get3A_13 = arith.constant 0 : index
    %get3A_14 = arith.constant 0 : index
    %get3A_15 = arith.constant 0 : index
    %get3A_16 = vector.load %arg1[%get3A_13, %get3A_14, %get3A_15] : memref<2x2048x128xf32, #tpu.memory_space<vmem>>, vector<1x2048x128xf32>
    %get3A_17 = vector.shape_cast %get3A_16 : vector<1x2048x128xf32> to vector<2048x128xf32>
    %get3A_18 = arith.constant 1 : index
    %get3A_19 = arith.constant 0 : index
    %get3A_20 = arith.constant 0 : index
    %get3A_21 = vector.load %arg1[%get3A_18, %get3A_19, %get3A_20] : memref<2x2048x128xf32, #tpu.memory_space<vmem>>, vector<1x2048x128xf32>
    %get3A_22 = vector.shape_cast %get3A_21 : vector<1x2048x128xf32> to vector<2048x128xf32>
    %add3A_23 = arith.addf %get3A_17, %get3A_22 : vector<2048x128xf32>
    %reshape3A = vector.shape_cast %add3A_23 : vector<2048x128xf32> to vector<16x128x128xf32>
    %broadcast_in_dim3A = vector.shape_cast %div3A_12 : vector<16x128xf32> to vector<16x128x1xf32>
    %mul3A = vector.broadcast %broadcast_in_dim3A : vector<16x128x1xf32> to vector<16x128x128xf32>
    %mul3A_24 = arith.mulf %reshape3A, %mul3A : vector<16x128x128xf32>
    %reshape3A_25 = vector.shape_cast %mul3A_24 : vector<16x128x128xf32> to vector<2048x128xf32>
    %get3A_26 = arith.constant 0 : index
    %get3A_27 = arith.constant 0 : index
    %get3A_28 = vector.load %arg4[%get3A_26, %get3A_27] : memref<128x128xf32, #tpu.memory_space<vmem>>, vector<128x128xf32>
    %dot_general3A = arith.constant dense<0.000000e+00> : vector<2048x128xf32>
    %dot_general3A_29 = tpu.matmul %reshape3A_25, %get3A_28, %dot_general3A {dimension_numbers = #tpu.dot_dimension_numbers<[1], [0], [0], [1], [0, 0, 1, 1], [], []>, transpose_lhs_hint = false} : vector<2048x128xf32>, vector<128x128xf32>, vector<2048x128xf32> -> vector<2048x128xf32>
    %get3A_30 = arith.constant 0 : index
    %get3A_31 = arith.constant 0 : index
    %get3A_32 = vector.load %arg5[%get3A_30, %get3A_31] : memref<1x128xf32, #tpu.memory_space<vmem>>, vector<1x128xf32>
    %add3A_33 = vector.broadcast %get3A_32 : vector<1x128xf32> to vector<2048x128xf32>
    %add3A_34 = arith.addf %dot_general3A_29, %add3A_33 : vector<2048x128xf32>
    %get3A_35 = arith.constant 0 : index
    %get3A_36 = arith.constant 0 : index
    %get3A_37 = vector.load %arg3[%get3A_35, %get3A_36] : memref<2048x128xf32, #tpu.memory_space<vmem>>, vector<2048x128xf32>
    %get3A_38 = arith.constant 0 : index
    %get3A_39 = arith.constant 0 : index
    %get3A_40 = vector.load %arg6[%get3A_38, %get3A_39] : memref<128x128xf32, #tpu.memory_space<vmem>>, vector<128x128xf32>
    %dot_general3A_41 = arith.constant dense<0.000000e+00> : vector<2048x128xf32>
    %dot_general3A_42 = tpu.matmul %get3A_37, %get3A_40, %dot_general3A_41 {dimension_numbers = #tpu.dot_dimension_numbers<[1], [0], [0], [1], [0, 0, 1, 1], [], []>, transpose_lhs_hint = false} : vector<2048x128xf32>, vector<128x128xf32>, vector<2048x128xf32> -> vector<2048x128xf32>
    %add3A_43 = arith.addf %add3A_34, %dot_general3A_42 : vector<2048x128xf32>
    %max3A_44 = arith.constant 0.000000e+00 : f32
    %max3A_45 = vector.broadcast %max3A_44 : f32 to vector<2048x128xf32>
    %max3A_46 = arith.maximumf %add3A_43, %max3A_45 : vector<2048x128xf32>
    %swap3A = arith.constant 0 : index
    %swap3A_47 = arith.constant 0 : index
    %swap3A_48 = vector.load %arg7[%swap3A, %swap3A_47] : memref<2048x128xf32, #tpu.memory_space<vmem>>, vector<2048x128xf32>
    tpu.vector_store %arg7[%swap3A, %swap3A_47], %max3A_46 {strides = array<i32>} : memref<2048x128xf32, #tpu.memory_space<vmem>>, vector<2048x128xf32>,
    %swap3A_49 = arith.constant 0 : index
    %swap3A_50 = arith.constant 0 : index
    %swap3A_51 = vector.load %arg8[%swap3A_49, %swap3A_50] : memref<16x128xf32, #tpu.memory_space<vmem>>, vector<16x128xf32>
    tpu.vector_store %arg8[%swap3A_49, %swap3A_50], %div3A_12 {strides = array<i32>} : memref<16x128xf32, #tpu.memory_space<vmem>>, vector<16x128xf32>,
    return
  }
  func.func @transform_0(%arg0: i32) -> (i32, i32, i32) {
    %c0_i32 = arith.constant 0 : i32
    %c0_i32_0 = arith.constant 0 : i32
    %c0_i32_1 = arith.constant 0 : i32
    return %c0_i32, %arg0, %c0_i32_0 : i32, i32, i32
  }
  func.func @transform_1(%arg0: i32) -> (i32, i32, i32) {
    %add3A = arith.constant 640 : i32
    %add3A_0 = arith.addi %add3A, %arg0 : i32
    %c0_i32 = arith.constant 0 : i32
    %c0_i32_1 = arith.constant 0 : i32
    %c0_i32_2 = arith.constant 0 : i32
    return %c0_i32, %add3A_0, %c0_i32_1 : i32, i32, i32
  }
  func.func @transform_2(%arg0: i32) -> (i32, i32) {
    %c0_i32 = arith.constant 0 : i32
    %c0_i32_0 = arith.constant 0 : i32
    return %arg0, %c0_i32 : i32, i32
  }
  func.func @transform_3(%arg0: i32) -> (i32, i32) {
    %c0_i32 = arith.constant 0 : i32
    %c0_i32_0 = arith.constant 0 : i32
    %c0_i32_1 = arith.constant 0 : i32
    return %c0_i32, %c0_i32_0 : i32, i32
  }
  func.func @transform_4(%arg0: i32) -> (i32, i32) {
    %c0_i32 = arith.constant 0 : i32
    %c0_i32_0 = arith.constant 0 : i32
    %c0_i32_1 = arith.constant 0 : i32
    return %c0_i32, %c0_i32_0 : i32, i32
  }
  func.func @transform_5(%arg0: i32) -> (i32, i32) {
    %c0_i32 = arith.constant 0 : i32
    %c0_i32_0 = arith.constant 0 : i32
    %c0_i32_1 = arith.constant 0 : i32
    return %c0_i32, %c0_i32_0 : i32, i32
  }
  func.func @transform_6(%arg0: i32) -> (i32, i32) {
    %c0_i32 = arith.constant 0 : i32
    %c0_i32_0 = arith.constant 0 : i32
    return %arg0, %c0_i32 : i32, i32
  }
  func.func @transform_7(%arg0: i32) -> (i32, i32) {
    %c0_i32 = arith.constant 0 : i32
    %c0_i32_0 = arith.constant 0 : i32
    return %arg0, %c0_i32 : i32, i32
  }
}

</mosaic_0001>

<sc_bundles>
// kernel: kernel.6.cloned.1.call-start
scs
__scs_entry_jumppad:
0x0: {  	(pc) =	sbr.rel $0x88, $3  }
0x1: {  	(tag) =	ssettag $0x0;
	lr =	simm.s32 $0x1  }
0x2: {  	[smem:$0x3F99] =	sst lr;
	_ =	strace $0xD0000000  }
0x3: {  	_ = 	snop  }
0x4: {  	_ = 	snop  }
0x5: {  	_ = 	snop  }
0x6: {  	_ = 	snop  }
0x7: {  	_ = 	snop  }
__scs_overlays_trampoline_lowered:
0x8: {  	[smem:$0x3FA8] =	sst s0  }
0x9: {  	[smem:$0x3FA9] =	sst s1  }
0xa: {  	[smem:$0x3FAA] =	sst s2  }
0xb: {  	[smem:$0x3FAB] =	sst s3  }
0xc: {  	[smem:$0x3FAC] =	sst s4  }
0xd: {  	[smem:$0x3FAD] =	sst s5  }
0xe: {  	[smem:$0x3FAE] =	sst s6  }
0xf: {  	[smem:$0x3FAF] =	sst s7  }
0x10: {  	[smem:$0x3FB0] =	sst s8  }
0x11: {  	[smem:$0x3FB1] =	sst s9;
	s0 =	simm.s32 @!p0 $0x0  }
0x12: {  	s1 =	sld [smem:$0x3F97];
	s0 =	simm.s32 @p0 $0x1  }
0x13: {  	[smem:$0x3FB2] =	sst s0;
	s0 =	simm.s32 @!p1 $0x0  }
0x14: {  	s2 =	sld [smem:$0x3F96];
	s0 =	simm.s32 @p1 $0x1  }
0x15: {  	[smem:$0x3FB3] =	sst s0;
	s0 =	simm.s32 @!p2 $0x0  }
0x16: {  	s3 =	sld [smem:$0x3FDB];
	s0 =	simm.s32 @p2 $0x1  }
0x17: {  	s4 =	simm.s32 $0x1BF5;
	[smem:$0x3FB5] =	sst s0  }
0x18: {  	s0 =	sld [smem:$0x3F98];
	_ =	swait.ge [sflag:s4], $0x0  }
0x19: {  	s7 =	sld [smem:$0x3F99]  }
0x1a: {  	s8 =	sadd.s32 $0xFFFFE003, lr  }
0x1b: {  	s9 =	sadd.s32 $0xFFFFFEF7, lr;
	s5 =	simm.s32 $0xFFFFFFFF;
	p2 =	slt.u32 s8, $0xFFFFF086  }
0x1c: {  	p1 =	slt.u32 s9, $0xF7A;
	s5 =	simm.s32 @!p2 $0x0  }
0x1d: {  	s5 =	simm.s32 @p1 $0x1;
	p0 =	seq.s32 s7, s2  }
0x1e: {  	s7 =	smul.u32 @!p0 $0xF7A, s2;
	p2 =	seq.s32 @!p0 s5, $0x0  }
0x1f: {  	s9 =	smul.u32 $0xF7A, s1;
	s8 =	simm.s32 @!p0 $0x1BF5;
	p2 =	por !p2, p0  }
0x20: {  	[sflag:s8] =	ssyncset.s32 @!p0 $0xFFFFF086;
	s6 =	sadd.s32 @!p0 s3, s7;
	s7 =	simm.s32 @!p0 $0x108  }
0x21: {  	s3 =	sadd.s32 s3, s9;
	s6 =	sadd.s32 @!p0 $0x88, s6;
	s7 =	simm.s32 @p2 $0x1082  }
0x22: {  	[simem:s7], [sflag:s8] =	dma.local @!p0 [hbm:s6], $0xF7A  }
0x23: {  	s9 =	sor.u32 $0xD0000000, s2;
	s6 =	simm.s32 $0x108;
	_ =	swait.ge @!p0 [sflag:s8], $0x0  }
0x24: {  	s3 =	sadd.s32 $0x88, s3;
	s6 =	simm.s32 @!p1 $0x1082;
	[sflag:s4] =	ssyncset.s32 $0xFFFFF086  }
0x25: {  	[simem:s6], [sflag:s4] =	dma.local [hbm:s3], $0xF7A  }
0x26: {  	[smem:$0x3F99] =	sst s1;
	(tag) =	ssettag s2;
	_ =	strace s9  }
0x27: {  	s1 =	sld [smem:$0x3FA9]  }
0x28: {  	s2 =	sld [smem:$0x3FAA]  }
0x29: {  	s4 =	sld [smem:$0x3FAC]  }
0x2a: {  	p0 =	seq.s32 s5, $0x0;
	s5 =	sld [smem:$0x3FAD]  }
0x2b: {  	s6 =	sld [smem:$0x3FAE]  }
0x2c: {  	s7 =	sld [smem:$0x3FAF]  }
0x2d: {  	s3 =	simm.s32 $0x108;
	s8 =	sld [smem:$0x3FB0]  }
0x2e: {  	s3 =	simm.s32 @!p0 $0x1082;
	s9 =	sld [smem:$0x3FB1]  }
0x2f: {  	lr =	sadd.s32 s0, s3;
	s0 =	sld [smem:$0x3FA8]  }
0x30: {  	s3 =	sld [smem:$0x3FAB]  }
0x31: {  	[smem:$0x3FB4] =	sst s10  }
0x32: {  	s10 =	sld [smem:$0x3FB2];
	_ =	sdelay $0x3  }
0x33: {  	p0 =	seq.s32 s10, $0x1;
	s10 =	sld [smem:$0x3FB4];
	_ =	sdelay $0x3  }
0x34: {  	[smem:$0x3FB4] =	sst s10  }
0x35: {  	s10 =	sld [smem:$0x3FB3];
	_ =	sdelay $0x3  }
0x36: {  	p1 =	seq.s32 s10, $0x1;
	s10 =	sld [smem:$0x3FB4];
	_ =	sdelay $0x3  }
0x37: {  	[smem:$0x3FB4] =	sst s10  }
0x38: {  	s10 =	sld [smem:$0x3FB5]  }
0x39: {  	_ = 	snop;
	(pc) =	sbr.ind lr, $3  }
0x3a: {  	_ = 	snop  }
0x3b: {  	_ = 	snop  }
0x3c: {  	p2 =	seq.s32 s10, $0x1;
	s10 =	sld [smem:$0x3FB4]  }
0x3d: {  	_ =	shalt  }
0x3e: {  	_ =	shalt  }
0x3f: {  	_ =	shalt  }
0x40: {  	_ =	shalt  }
0x41: {  	_ =	shalt  }
0x42: {  	_ =	shalt  }
0x43: {  	_ =	shalt  }
0x44: {  	_ =	shalt  }
0x45: {  	_ =	shalt  }
0x46: {  	_ =	shalt  }
0x47: {  	_ =	shalt  }
0x48: {  	_ =	shalt  }
0x49: {  	_ =	shalt  }
0x4a: {  	_ =	shalt  }
0x4b: {  	_ =	shalt  }
0x4c: {  	_ =	shalt  }
0x4d: {  	_ =	shalt  }
0x4e: {  	_ =	shalt  }
0x4f: {  	_ =	shalt  }
0x50: {  	_ =	shalt  }
0x51: {  	_ =	shalt  }
0x52: {  	_ =	shalt  }
0x53: {  	_ =	shalt  }
0x54: {  	_ =	shalt  }
0x55: {  	_ =	shalt  }
0x56: {  	_ =	shalt  }
0x57: {  	_ =	shalt  }
0x58: {  	_ =	shalt  }
0x59: {  	_ =	shalt  }
0x5a: {  	_ =	shalt  }
0x5b: {  	_ =	shalt  }
0x5c: {  	_ =	shalt  }
0x5d: {  	_ =	shalt  }
0x5e: {  	_ =	shalt  }
0x5f: {  	_ =	shalt  }
0x60: {  	_ =	shalt  }
0x61: {  	_ =	shalt  }
0x62: {  	_ =	shalt  }
0x63: {  	_ =	shalt  }
0x64: {  	_ =	shalt  }
0x65: {  	_ =	shalt  }
0x66: {  	_ =	shalt  }
0x67: {  	_ =	shalt  }
0x68: {  	_ =	shalt  }
0x69: {  	_ =	shalt  }
0x6a: {  	_ =	shalt  }
0x6b: {  	_ =	shalt  }
0x6c: {  	_ =	shalt  }
0x6d: {  	_ =	shalt  }
0x6e: {  	_ =	shalt  }
0x6f: {  	_ =	shalt  }
0x70: {  	_ =	shalt  }
0x71: {  	_ =	shalt  }
0x72: {  	_ =	shalt  }
0x73: {  	_ =	shalt  }
0x74: {  	_ =	shalt  }
0x75: {  	_ =	shalt  }
0x76: {  	_ =	shalt  }
0x77: {  	_ =	shalt  }
0x78: {  	_ =	shalt  }
0x79: {  	_ =	shalt  }
0x7a: {  	_ =	shalt  }
0x7b: {  	_ =	shalt  }
0x7c: {  	_ =	shalt  }
0x7d: {  	_ =	shalt  }
0x7e: {  	_ =	shalt  }
0x7f: {  	_ =	shalt  }
0x80: {  	_ =	shalt  }
0x81: {  	_ =	shalt  }
0x82: {  	_ =	shalt  }
0x83: {  	_ =	shalt  }
0x84: {  	_ =	shalt  }
0x85: {  	_ =	shalt  }
0x86: {  	_ =	shalt  }
0x87: {  	_ =	shalt  }
.Lfunc_end0:
.L_simem_size_0:
called_computation_lowered:
.L_overlay_start_0:
0x88: {  	s2 =	sld [smem:$0x3FD9]  }
0x89: {  	s3 =	sld [smem:$0x3FFE];
	_ =	sdelay $0x1  }
0x8a: {  	s1 =	srdreg.scid  }
0x8b: {  	s0 =	sand.u32 $0x1, s1  }
0x8c: {  	s17 =	sshll.u32 s0, $0xA;
	s2 =	sadd.s32 s3, s2  }
0x8d: {  	s2 =	sadd.s32 s2, s17  }
0x8e: {  	[smem:$0x3FC0] =	sst s2  }
0x8f: {  	_ = 	snop  }
0x90: {  	s2 =	sld [smem:$0x3FC9]  }
0x91: {  	s18 =	sld [smem:$0x3FD0];
	(tm) =	ssettm $0x1  }
0x92: {  	s4 =	sld [smem:$0x3FFB];
	_ =	sdelay $0x3  }
0x93: {  	_ =	strace s4  }
0x94: {  	s4 =	sld [smem:$0x3FFC];
	_ =	sdelay $0x3  }
0x95: {  	_ =	strace s4  }
0x96: {  	s4 =	sld [smem:$0x3FFD];
	_ =	sdelay $0x3  }
0x97: {  	_ =	strace s4  }
0x98: {  	_ =	strace $0x8FFFFFFF  }
0x99: {  	s19 =	sld [smem:$0x3FDB];
	_ =	sdelay $0x1  }
0x9a: {  	s5 =	simm.s32 $_scs_section_size  }
0x9b: {  	s6 =	simm.s32 $_size__tile_overlayer_lowered;
	s7 =	simm.s32 $_tile_overlayer_lowered  }
0x9c: {  	s22 =	simm.s32 $0x1BFF;
	s21 =	sshll.u32 s7, $0x1;
	s4 =	sadd.s32 s5, s19  }
0x9d: {  	s8 =	simm.s32 $0x0;
	s20 =	sshll.u32 s6, $0x1;
	s6 =	sadd.s32 s21, s4  }
0x9e: {  	[timem:s8], [sflag:s22] =	dma.local [hbm:s6], s20  }
0x9f: {  	_ =	swait.ge [sflag:s22], s20  }
0xa0: {  	s5 =	ssub.s32 $0x0, s20;
	[sflag:s22] =	ssyncset.done $0x0  }
0xa1: {  	[sflag:s22] =	ssyncadd.s32 s5;
	_ =	sdelay $0x1  }
0xa2: {  	s23 =	simm.s32 $0x1B8B  }
0xa3: {  	_ =	swait.ge [sflag:s23], $0x1  }
0xa4: {  	[sflag:s23] =	ssyncset.done $0x0  }
0xa5: {  	s25 =	simm.s32 $0x1B8E;
	s24 =	sld [smem:$0x3FFE];
	[sflag:s23] =	ssyncadd.s32 $0xFFFFFFFF  }
0xa6: {  	s26 =	simm.s32 $execute0_lowered;
	[smem:$0x3FD2] =	sst s25  }
0xa7: {  	s6 =	sshll.u32 s26, $0x1;
	_ =	strace $0x80000046;
	[dreg:$0x1] =	wrdreg $0xFFFFFFFF  }
0xa8: {  	s28 =	simm.s32 $_size_execute0_lowered;
	s4 =	sadd.s32 s4, s6;
	[dreg:$0x0] =	wrdreg $0x0  }
0xa9: {  	s6 =	sshll.u32 s28, $0x1;
	[dreg:$0x2] =	wrdreg s4  }
0xaa: {  	[dreg:$0x3] =	wrdreg s6  }
0xab: {  	[dreg:$0x4] =	wrdreg $0xC0  }
0xac: {  	_ =	task [dreg:s8], $0x5FFFF  }
0xad: {  	[dreg:$0x1] =	wrdreg $0xFFFFFFFF  }
0xae: {  	[dreg:$0x0] =	wrdreg $0x60  }
0xaf: {  	[dreg:$0x2] =	wrdreg s2  }
0xb0: {  	[dreg:$0x3] =	wrdreg s18  }
0xb1: {  	[dreg:$0x4] =	wrdreg s24  }
0xb2: {  	[dreg:$0x5] =	wrdreg $0x91000  }
0xb3: {  	[dreg:$0x6] =	wrdreg $0x9  }
0xb4: {  	_ =	task.clear_ibuf [dreg:s8], $0x7FFFF;
	_ =	strace $0x90000046  }
0xb5: {  	s29 =	simm.s32 $0x9;
	_ =	strace $0x80000048  }
0xb6: {  	_ =	swait.ge [sflag:s29], $0x1  }
0xb7: {  	[sflag:s29] =	ssyncadd.s32 $0xFFFFFFFF  }
0xb8: {  	_ =	strace $0x90000048  }
0xb9: {  	_ =	sfence  }
0xba: {  	s30 =	sld [smem:$0x0];
	_ =	sdelay $0x2  }
0xbb: {  	s31 =	sshll.u32 s1, $0xD;
	s1 =	sshrl.u32 s1, $0x2  }
0xbc: {  	s3 =	sand.u32 $0x4000, s31;
	s1 =	sadd.s32 s1, s30  }
0xbd: {  	s0 =	sor.u32 s3, s0;
	s1 =	sshll.u32 s1, $0x11  }
0xbe: {  	s0 =	sor.u32 s1, s0  }
0xbf: {  	s0 =	sadd.s32 $0x8F2B, s0  }
0xc0: {  	[sflag:s0] =	ssyncadd.remote.s32 $0x1  }
0xc1: {  	_ =	sfence.sel $0xFFFF  }
0xc2: {  	[dreg:$0x0] =	wrdreg $0xFFFFFFFF;
	(pc) =	sbr.abs _section_cstart, $3  }
0xc3: {  	[dreg:$0x1] =	wrdreg $0xFFFFFFFF  }
0xc4: {  	_ =	task.clear_ibuf [dreg:s8], $0x2FFFF;
	_ =	strace $0x9FFFFFFF  }
0xc5: {  	(tm) =	ssettm $0x7FFFFFFF  }
tec
execute0_lowered:
.L_overlay_start_1:
0x0: {  	(tag) =	ssettag $0x1  }
0x1: {  	s1 =	rddreg [dreg:$0x0]  }
0x2: {  	s2 =	rddreg [dreg:$0x1]  }
0x3: {  	s0 =	rddreg [dreg:$0x2]  }
0x4: {  	s4 =	rddreg [dreg:$0x3]  }
0x5: {  	s3 =	srdreg.scid;
	s5 =	simm.s32 $0x0;
	s13 =	stileid.u32  }
0x6: {  	s18 =	simm.s32 $0x100;
	s19 =	simm.s32 $0x8;
	s20 =	simm.s32 $0x1D500  }
0x7: {  	s21 =	simm.s32 $0x50;
	s22 =	simm.s32 $0x4100;
	s28 =	simm.s32 $0x1  }
0x8: {  	s29 =	simm.s32 $0x3;
	s30 =	simm.s32 $0x5;
	s31 =	simm.s32 $0x2  }
0x9: {  	s3 =	sand.u32 $0x1, s3;
	s6 =	sshll.u32 s13, $0xF;
	s23 =	smul.u32 $0x14400, s13  }
0xa: {  	[smem:$0x7FF] =	sst s5;
	s11 =	smul.u32 $0x51000, s13;
	s7 =	sshll.u32 s3, $0xE  }
0xb: {  	s8 =	smul.u32 $0x144000, s3;
	_ =	strace $0x80000047;
	s3 =	ssub.s32 $0x2, s3  }
0xc: {  	s6 =	sor.u32 s7, s6;
	s7 =	sadd.s32 $0x12400, s0;
	s24 =	sshrl.u32 s3, $0x1  }
0xd: {  	s11 =	sshrl.u32 s11, $0x2;
	s9 =	sshrl.u32 s6, $0x3;
	s8 =	sadd.s32 s23, s8  }
0xe: {  	s3 =	ssub.s32 s3, s24;
	s12 =	sadd.s32 s11, s4;
	s23 =	simm.s32 $0x80  }
0xf: {  	s24 =	simm.s32 $0x7;
	s10 =	sadd.s32 s9, s0;
	s8 =	sshrl.u32 s8, $0x3  }
0x10: {  	s11 =	sadd.s32 s2, s9;
	s26 =	smax.u32 s3, $0x1;
	s17 =	sshrl.u32 s12, $0x3  }
0x11: {  	s3 =	simm.s32 $0x4;
	s0 =	sadd.s32 s8, s0;
	s8 =	sshll.u32 s13, $0x6  }
.Ltmp0:
0x12: {  	s10 =	sadd.s32 $0x2400, s10;
	[dreg:$0x9] =	wrdreg s26;
	(pc) =	sbr.rel .LBB2_1-.Ltmp0, $4  }
0x13: {  	s9 =	sadd.s32 $0x10, s11;
	s15 =	sadd.s32 $0x20, s11;
	[dreg:$0x6] =	wrdreg s10  }
0x14: {  	v4 =	vlaneseq.u32;
	s16 =	sadd.s32 $0x30, s11;
	s25 =	sor.u32 $0x1C07, s8;
	[dreg:$0x7] =	wrdreg s9  }
0x15: {  	v5 =	vimm.f32 $1.000000000e+00;
	v0 =	vor.u32 $0x2800, v4;
	v1 =	vor.u32 $0x2810, v4;
	s26 =	simm.s32 $0x6900;
	s0 =	sadd.s32 $0x14E00, s0;
	[dreg:$0x5] =	wrdreg s25  }
0x16: {  	v2 =	vor.u32 $0x2820, v4;
	v3 =	vor.u32 $0x2830, v4;
	v4 =	vor.u32 $0x2840, v4;
	[dreg:$0x8] =	wrdreg s0;
	s25 =	simm.s32 $0x6;
	s0 =	simm.s32 $0x0  }
.LBB2_4:
0x17: {  	[spmem:s4] =	stream.indirect.scatter.add.f32 [tilespmem:s26], [sflag:$0x4], $0x80, s12, s21, $0xb8;
	[tilespmem:$0x1FD80] =	vst v63  }
0x18: {  	_ =	swait.ge [sflag:s3], $0x2800  }
0x19: {  	[sflag:s3] =	ssyncset.done $0x0  }
0x1a: {  	[sflag:s3] =	ssyncadd.s32 $0xFFFFD800  }
0x1b: {  	_ =	swait.ge [sflag:s28], $0x2800  }
0x1c: {  	[sflag:s28] =	ssyncset.done $0x0  }
0x1d: {  	s9 =	simm.s32 $0x3F00;
	[sflag:s28] =	ssyncadd.s32 $0xFFFFD800  }
0x1e: {  	[spmem:s4] =	stream.indirect.scatter.add.f32 [tilespmem:s22], [sflag:$0x8], $0x80, s9, s21, $0xb8;
	[tilespmem:$0x1FD80] =	vst v63  }
0x1f: {  	_ =	swait.ge [sflag:s19], $0x2800  }
0x20: {  	[sflag:s19] =	ssyncset.done $0x0  }
0x21: {  	[sflag:s19] =	ssyncadd.s32 $0xFFFFD800  }
0x22: {  	v6 =	vld [tilespmem:$0x3F00];
	_ =	sdelay $0x7  }
0x23: {  	[tilespmem:v6+s20+$0x0] =	vst.idx.add.f32.msk $0xffff, v5  }
0x24: {  	v6 =	vld [tilespmem:$0x3F10];
	_ =	sdelay $0x7  }
0x25: {  	[tilespmem:v6+s20+$0x0] =	vst.idx.add.f32.msk $0xffff, v5  }
0x26: {  	v6 =	vld [tilespmem:$0x3F20];
	_ =	sdelay $0x7  }
0x27: {  	[tilespmem:v6+s20+$0x0] =	vst.idx.add.f32.msk $0xffff, v5  }
0x28: {  	v6 =	vld [tilespmem:$0x3F30];
	_ =	sdelay $0x7  }
0x29: {  	[tilespmem:v6+s20+$0x0] =	vst.idx.add.f32.msk $0xffff, v5  }
0x2a: {  	v6 =	vld [tilespmem:$0x3F40];
	_ =	sdelay $0x7  }
0x2b: {  	s12 =	simm.s32 $0x1FD00;
	[tilespmem:v6+s20+$0x0] =	vst.idx.add.f32.msk $0xffff, v5  }
0x2c: {  	[spmem:s4] =	stream.indirect.scatter.add.f32 [tilespmem:s20], [sflag:$0x8], $0x80, s12, s21, $0xb8;
	[tilespmem:$0x1FD80] =	vst v63  }
0x2d: {  	_ =	swait.ge [sflag:s19], $0x2800  }
0x2e: {  	[sflag:s19] =	ssyncset.done $0x0  }
0x2f: {  	[sflag:s19] =	ssyncadd.s32 $0xFFFFD800  }
0x30: {  	[bflag:$0x0] =	sbarrier.arrive $0xFFFF  }
0x31: {  	s13 =	sor.u32 $0x1C08, s8;
	s10 =	rddreg [dreg:$0x8]  }
0x32: {  	[hbm:s10], [sflag:s13] =	dma.local [spmem:s17], $0x2880  }
0x33: {  	_ =	swait.ge [sflag:s19], $0x2880  }
0x34: {  	s0 =	sadd.s32 $0x1, s0;
	s14 =	rddreg [dreg:$0x9]  }
0x35: {  	p0 =	sne.s32 s0, s14  }
.Ltmp1:
0x36: {  	_ = 	snop;
	(pc) =	sbr.rel @!p0 .LBB2_5-.Ltmp1, $3  }
0x37: {  	_ =	sdelay $0x1  }
0x38: {  	[sflag:s19] =	ssyncset.done $0x0  }
0x39: {  	[sflag:s19] =	ssyncadd.s32 $0xFFFFD780  }
.LBB2_1:
0x3a: {  	s9 =	rddreg [dreg:$0x5]  }
0x3b: {  	[spmem:s17], [sflag:s9] =	dma.local [hbm:s7], $0x2880  }
0x3c: {  	s9 =	rddreg [dreg:$0x6]  }
0x3d: {  	[tilespmem:s18], [sflag:$0x8] =	stream.linear.gather [hbm4b:s9+s5], $0x3E80, $0x38;
	[tilespmem:$0x1FD80] =	vst v63  }
0x3e: {  	_ =	swait.ge [sflag:s19], $0x3E80  }
0x3f: {  	[sflag:s19] =	ssyncset.done $0x0  }
0x40: {  	[sflag:s19] =	ssyncadd.s32 $0xFFFFC180  }
0x41: {  	[tilespmem:s20], [sflag:$0x8] =	stream.linear.gather [hbm4b:s7+s5], $0x2800, $0x38;
	[tilespmem:$0x1FD80] =	vst v63  }
0x42: {  	_ =	swait.ge [sflag:s19], $0x2800  }
0x43: {  	[sflag:s19] =	ssyncset.done $0x0  }
0x44: {  	[sflag:s19] =	ssyncadd.s32 $0xFFFFD800  }
0x45: {  	[tilespmem:$0x1FD00] =	vst v0  }
0x46: {  	[tilespmem:$0x1FD10] =	vst v1  }
0x47: {  	[tilespmem:$0x1FD20] =	vst v2  }
0x48: {  	[tilespmem:$0x1FD30] =	vst v3  }
0x49: {  	[tilespmem:$0x1FD40] =	vst v4  }
0x4a: {  	[tilespmem:s5], [sflag:$0x8] =	stream.linear.gather [hbm4b:s11+s5], $0x80, $0x38;
	[tilespmem:$0x1FD80] =	vst v63  }
0x4b: {  	_ =	swait.ge [sflag:s19], $0x80  }
0x4c: {  	[sflag:s19] =	ssyncset.done $0x0  }
0x4d: {  	[sflag:s19] =	ssyncadd.s32 $0xFFFFFF80  }
0x4e: {  	[tilespmem:s22], [sflag:$0x1] =	stream.indirect.gather [hbm4b:s1+s21], $0x80, s5, s21, $0xb8;
	[tilespmem:$0x1FD80] =	vst v63  }
0x4f: {  	s13 =	rddreg [dreg:$0x7]  }
0x50: {  	[tilespmem:s23], [sflag:$0x6] =	stream.linear.gather [hbm4b:s13+s5], $0x80, $0x38;
	[tilespmem:$0x1FD80] =	vst v63  }
0x51: {  	_ =	swait.ge [sflag:s24], $0x2880  }
0x52: {  	[sflag:s24] =	ssyncset.done $0x0  }
0x53: {  	[sflag:s24] =	ssyncadd.s32 $0xFFFFD780  }
0x54: {  	[bflag:$0x0] =	sbarrier.arrive $0xFFFF  }
0x55: {  	_ =	swait.ge [sflag:s25], $0x80  }
0x56: {  	[sflag:s25] =	ssyncset.done $0x0  }
0x57: {  	[sflag:s25] =	ssyncadd.s32 $0xFFFFFF80  }
0x58: {  	[tilespmem:s26], [sflag:$0x2] =	stream.indirect.gather [hbm4b:s1+s21], $0x80, s23, s21, $0xb8;
	[tilespmem:$0x1FD80] =	vst v63  }
0x59: {  	v6 =	vld [tilespmem:$0x100];
	_ =	sdelay $0x7  }
0x5a: {  	[tilespmem:v6+s20+$0x0] =	vst.idx.add.f32.msk $0xffff, v5  }
0x5b: {  	v6 =	vld [tilespmem:$0x110];
	_ =	sdelay $0x7  }
0x5c: {  	[tilespmem:v6+s20+$0x0] =	vst.idx.add.f32.msk $0xffff, v5  }
0x5d: {  	v6 =	vld [tilespmem:$0x120];
	_ =	sdelay $0x7  }
0x5e: {  	[tilespmem:v6+s20+$0x0] =	vst.idx.add.f32.msk $0xffff, v5  }
0x5f: {  	v6 =	vld [tilespmem:$0x130];
	_ =	sdelay $0x7  }
0x60: {  	[tilespmem:v6+s20+$0x0] =	vst.idx.add.f32.msk $0xffff, v5  }
0x61: {  	v6 =	vld [tilespmem:$0x140];
	_ =	sdelay $0x7  }
0x62: {  	[tilespmem:v6+s20+$0x0] =	vst.idx.add.f32.msk $0xffff, v5  }
0x63: {  	_ =	swait.ge [sflag:s28], $0x2800  }
0x64: {  	[sflag:s28] =	ssyncset.done $0x0  }
0x65: {  	[sflag:s28] =	ssyncadd.s32 $0xFFFFD800  }
0x66: {  	[tilespmem:s5], [sflag:$0x5] =	stream.linear.gather [hbm4b:s15+s5], $0x80, $0x38;
	[tilespmem:$0x1FD80] =	vst v63  }
0x67: {  	_ = 	snop  }
0x68: {  	[spmem:s4] =	stream.indirect.scatter.add.f32 [tilespmem:s22], [sflag:$0x3], $0x80, s18, s21, $0xb8;
	[tilespmem:$0x1FD80] =	vst v63  }
0x69: {  	_ =	swait.ge [sflag:s29], $0x2800  }
0x6a: {  	[sflag:s29] =	ssyncset.done $0x0  }
0x6b: {  	[sflag:s29] =	ssyncadd.s32 $0xFFFFD800  }
0x6c: {  	_ =	swait.ge [sflag:s30], $0x80  }
0x6d: {  	[sflag:s30] =	ssyncset.done $0x0  }
0x6e: {  	[sflag:s30] =	ssyncadd.s32 $0xFFFFFF80  }
0x6f: {  	[tilespmem:s22], [sflag:$0x1] =	stream.indirect.gather [hbm4b:s1+s21], $0x80, s5, s21, $0xb8;
	[tilespmem:$0x1FD80] =	vst v63  }
0x70: {  	v6 =	vld [tilespmem:$0x180];
	_ =	sdelay $0x7  }
0x71: {  	[tilespmem:v6+s20+$0x0] =	vst.idx.add.f32.msk $0xffff, v5  }
0x72: {  	v6 =	vld [tilespmem:$0x190];
	_ =	sdelay $0x7  }
0x73: {  	[tilespmem:v6+s20+$0x0] =	vst.idx.add.f32.msk $0xffff, v5  }
0x74: {  	v6 =	vld [tilespmem:$0x1A0];
	_ =	sdelay $0x7  }
0x75: {  	[tilespmem:v6+s20+$0x0] =	vst.idx.add.f32.msk $0xffff, v5  }
0x76: {  	v6 =	vld [tilespmem:$0x1B0];
	_ =	sdelay $0x7  }
0x77: {  	[tilespmem:v6+s20+$0x0] =	vst.idx.add.f32.msk $0xffff, v5  }
0x78: {  	v6 =	vld [tilespmem:$0x1C0];
	_ =	sdelay $0x7  }
0x79: {  	[tilespmem:v6+s20+$0x0] =	vst.idx.add.f32.msk $0xffff, v5  }
0x7a: {  	_ =	swait.ge [sflag:s31], $0x2800  }
0x7b: {  	[sflag:s31] =	ssyncset.done $0x0  }
0x7c: {  	[sflag:s31] =	ssyncadd.s32 $0xFFFFD800  }
0x7d: {  	[tilespmem:s23], [sflag:$0x6] =	stream.linear.gather [hbm4b:s16+s5], $0x80, $0x38;
	[tilespmem:$0x1FD80] =	vst v63  }
0x7e: {  	s14 =	simm.s32 $0x180;
	s10 =	simm.s32 $0x200;
	s9 =	simm.s32 $0x280  }
0x7f: {  	[spmem:s4] =	stream.indirect.scatter.add.f32 [tilespmem:s26], [sflag:$0x4], $0x80, s14, s21, $0xb8;
	[tilespmem:$0x1FD80] =	vst v63  }
.LBB2_2:
0x80: {  	_ =	swait.ge [sflag:s3], $0x2800  }
0x81: {  	[sflag:s3] =	ssyncset.done $0x0  }
0x82: {  	[sflag:s3] =	ssyncadd.s32 $0xFFFFD800  }
0x83: {  	_ =	swait.ge [sflag:s25], $0x80  }
0x84: {  	[sflag:s25] =	ssyncset.done $0x0  }
0x85: {  	[sflag:s25] =	ssyncadd.s32 $0xFFFFFF80  }
0x86: {  	[tilespmem:s26], [sflag:$0x2] =	stream.indirect.gather [hbm4b:s1+s21], $0x80, s23, s21, $0xb8;
	[tilespmem:$0x1FD80] =	vst v63  }
0x87: {  	v6 =	vld [tilespmem:s10+$0x0];
	_ =	sdelay $0x7  }
0x88: {  	[tilespmem:v6+s20+$0x0] =	vst.idx.add.f32.msk $0xffff, v5  }
0x89: {  	v6 =	vld [tilespmem:s10+$0x10];
	_ =	sdelay $0x7  }
0x8a: {  	[tilespmem:v6+s20+$0x0] =	vst.idx.add.f32.msk $0xffff, v5  }
0x8b: {  	v6 =	vld [tilespmem:s10+$0x20];
	_ =	sdelay $0x7  }
0x8c: {  	[tilespmem:v6+s20+$0x0] =	vst.idx.add.f32.msk $0xffff, v5  }
0x8d: {  	v6 =	vld [tilespmem:s10+$0x30];
	_ =	sdelay $0x7  }
0x8e: {  	[tilespmem:v6+s20+$0x0] =	vst.idx.add.f32.msk $0xffff, v5  }
0x8f: {  	v6 =	vld [tilespmem:s10+$0x40];
	_ =	sdelay $0x5  }
0x90: {  	s12 =	sadd.s32 $0xFFFFFF80, s9  }
0x91: {  	s13 =	sand.u32 $0x7C00, s12  }
0x92: {  	s12 =	sand.u32 $0x300, s12;
	s13 =	sadd.s32 s6, s13;
	[tilespmem:v6+s20+$0x0] =	vst.idx.add.f32.msk $0xffff, v5  }
0x93: {  	s12 =	sor.u32 s12, s13;
	_ =	swait.ge [sflag:s28], $0x2800  }
0x94: {  	s12 =	sshrl.u32 s12, $0x3;
	[sflag:s28] =	ssyncset.done $0x0  }
0x95: {  	s12 =	sadd.s32 s2, s12;
	[sflag:s28] =	ssyncadd.s32 $0xFFFFD800  }
0x96: {  	[tilespmem:s5], [sflag:$0x5] =	stream.linear.gather [hbm4b:s12+s5], $0x80, $0x38;
	[tilespmem:$0x1FD80] =	vst v63  }
0x97: {  	_ = 	snop  }
0x98: {  	[spmem:s4] =	stream.indirect.scatter.add.f32 [tilespmem:s22], [sflag:$0x3], $0x80, s10, s21, $0xb8;
	[tilespmem:$0x1FD80] =	vst v63  }
0x99: {  	_ =	swait.ge [sflag:s29], $0x2800  }
0x9a: {  	[sflag:s29] =	ssyncset.done $0x0  }
0x9b: {  	[sflag:s29] =	ssyncadd.s32 $0xFFFFD800  }
0x9c: {  	_ =	swait.ge [sflag:s30], $0x80  }
0x9d: {  	[sflag:s30] =	ssyncset.done $0x0  }
0x9e: {  	[sflag:s30] =	ssyncadd.s32 $0xFFFFFF80  }
0x9f: {  	[tilespmem:s22], [sflag:$0x1] =	stream.indirect.gather [hbm4b:s1+s21], $0x80, s5, s21, $0xb8;
	[tilespmem:$0x1FD80] =	vst v63  }
0xa0: {  	v6 =	vld [tilespmem:s10+$0x80];
	_ =	sdelay $0x7  }
0xa1: {  	[tilespmem:v6+s20+$0x0] =	vst.idx.add.f32.msk $0xffff, v5  }
0xa2: {  	v6 =	vld [tilespmem:s10+$0x90];
	_ =	sdelay $0x7  }
0xa3: {  	[tilespmem:v6+s20+$0x0] =	vst.idx.add.f32.msk $0xffff, v5  }
0xa4: {  	v6 =	vld [tilespmem:s10+$0xA0];
	_ =	sdelay $0x7  }
0xa5: {  	[tilespmem:v6+s20+$0x0] =	vst.idx.add.f32.msk $0xffff, v5  }
0xa6: {  	v6 =	vld [tilespmem:s10+$0xB0];
	_ =	sdelay $0x7  }
0xa7: {  	[tilespmem:v6+s20+$0x0] =	vst.idx.add.f32.msk $0xffff, v5  }
0xa8: {  	v6 =	vld [tilespmem:s10+$0xC0];
	_ =	sdelay $0x5  }
0xa9: {  	p0 =	seq.s32 s9, $0x3E80  }
.Ltmp2:
0xaa: {  	_ = 	snop;
	(pc) =	sbr.rel @p0 .LBB2_4-.Ltmp2, $4  }
0xab: {  	[tilespmem:v6+s20+$0x0] =	vst.idx.add.f32.msk $0xffff, v5  }
0xac: {  	_ =	swait.ge [sflag:s31], $0x2800  }
0xad: {  	[sflag:s31] =	ssyncset.done $0x0  }
0xae: {  	s12 =	sadd.s32 $0x80, s10;
	[sflag:s31] =	ssyncadd.s32 $0xFFFFD800  }
0xaf: {  	s13 =	sand.u32 $0x7C00, s9  }
0xb0: {  	s14 =	sand.u32 $0x380, s9;
	s13 =	sadd.s32 s6, s13  }
0xb1: {  	s13 =	sor.u32 s14, s13  }
.Ltmp3:
0xb2: {  	s13 =	sshrl.u32 s13, $0x3;
	(pc) =	sbr.rel .LBB2_2-.Ltmp3, $4  }
0xb3: {  	s13 =	sadd.s32 s2, s13  }
0xb4: {  	[tilespmem:s23], [sflag:$0x6] =	stream.linear.gather [hbm4b:s13+s5], $0x80, $0x38;
	[tilespmem:$0x1FD80] =	vst v63  }
0xb5: {  	s9 =	sadd.s32 $0x100, s9;
	s10 =	sadd.s32 $0x100, s10  }
0xb6: {  	[spmem:s4] =	stream.indirect.scatter.add.f32 [tilespmem:s26], [sflag:$0x4], $0x80, s12, s21, $0xb8;
	[tilespmem:$0x1FD80] =	vst v63  }
.LBB2_5:
0xb7: {  	_ =	sfence.sel $0x180000  }
0xb8: {  	[bflag:$0x0] =	sbarrier.arrive $0xFFFF  }
0xb9: {  	_ =	strace $0x90000047  }
0xba: {  	s0 =	stileid.u32;
	[bflag:$0x2] =	sbarrier.arrive $0xFFFF  }
0xbb: {  	p0 =	sne.s32 s0, $0x0;
	s0 =	rddreg [dreg:$0x4]  }
0xbc: {  	s0 =	sadd.s32 @!p0 $0x100000, s0  }
0xbd: {  	[sflag:s0] =	ssyncadd.tile.s32 @!p0 $0x1;
	_ =	shalt  }
.Lfunc_end2:
_tile_overlayer_lowered:
.L_overlay_start_2:
0xbe: {  	(tag) =	ssettag $0x2  }
0xbf: {  	s0 =	rddreg [dreg:$0x0];
	s2 =	stileid.u32  }
0xc0: {  	s1 =	rddreg [dreg:$0x1];
	p0 =	sne.s32 s2, $0x0  }
0xc1: {  	s3 =	rddreg [dreg:$0x2];
	[bflag:$0x3] =	sbarrier.arrive $0xFFFF;
	s2 =	simm.s32 @!p0 $0x1C08  }
0xc2: {  	[timem:s3], [sflag:s2] =	dma.local @!p0 [hbm:s0], s1  }
0xc3: {  	s0 =	simm.s32 @!p0 $0x8  }
0xc4: {  	_ =	swait.ge @!p0 [sflag:s0], s1  }
0xc5: {  	s1 =	ssub.s32 @!p0 $0x0, s1;
	[sflag:s0] =	ssyncset.done @!p0 $0x0  }
0xc6: {  	[sflag:s0] =	ssyncadd.s32 @!p0 s1  }
0xc7: {  	[bflag:$0x3] =	sbarrier.arrive $0xFFFF  }
0xc8: {  	_ =	shalt  }

// kernel: kernel.9.cloned.1.call-start
scs
__scs_entry_jumppad:
0x0: {  	(pc) =	sbr.rel $0x88, $3  }
0x1: {  	(tag) =	ssettag $0x0;
	lr =	simm.s32 $0x1  }
0x2: {  	[smem:$0x3F99] =	sst lr;
	_ =	strace $0xD0000000  }
0x3: {  	_ = 	snop  }
0x4: {  	_ = 	snop  }
0x5: {  	_ = 	snop  }
0x6: {  	_ = 	snop  }
0x7: {  	_ = 	snop  }
__scs_overlays_trampoline_lowered:
0x8: {  	[smem:$0x3FA8] =	sst s0  }
0x9: {  	[smem:$0x3FA9] =	sst s1  }
0xa: {  	[smem:$0x3FAA] =	sst s2  }
0xb: {  	[smem:$0x3FAB] =	sst s3  }
0xc: {  	[smem:$0x3FAC] =	sst s4  }
0xd: {  	[smem:$0x3FAD] =	sst s5  }
0xe: {  	[smem:$0x3FAE] =	sst s6  }
0xf: {  	[smem:$0x3FAF] =	sst s7  }
0x10: {  	[smem:$0x3FB0] =	sst s8  }
0x11: {  	[smem:$0x3FB1] =	sst s9;
	s0 =	simm.s32 @!p0 $0x0  }
0x12: {  	s1 =	sld [smem:$0x3F97];
	s0 =	simm.s32 @p0 $0x1  }
0x13: {  	[smem:$0x3FB2] =	sst s0;
	s0 =	simm.s32 @!p1 $0x0  }
0x14: {  	s2 =	sld [smem:$0x3F96];
	s0 =	simm.s32 @p1 $0x1  }
0x15: {  	[smem:$0x3FB3] =	sst s0;
	s0 =	simm.s32 @!p2 $0x0  }
0x16: {  	s3 =	sld [smem:$0x3FDB];
	s0 =	simm.s32 @p2 $0x1  }
0x17: {  	s4 =	simm.s32 $0x1BF5;
	[smem:$0x3FB5] =	sst s0  }
0x18: {  	s0 =	sld [smem:$0x3F98];
	_ =	swait.ge [sflag:s4], $0x0  }
0x19: {  	s7 =	sld [smem:$0x3F99]  }
0x1a: {  	s8 =	sadd.s32 $0xFFFFE003, lr  }
0x1b: {  	s9 =	sadd.s32 $0xFFFFFEF7, lr;
	s5 =	simm.s32 $0xFFFFFFFF;
	p2 =	slt.u32 s8, $0xFFFFF086  }
0x1c: {  	p1 =	slt.u32 s9, $0xF7A;
	s5 =	simm.s32 @!p2 $0x0  }
0x1d: {  	s5 =	simm.s32 @p1 $0x1;
	p0 =	seq.s32 s7, s2  }
0x1e: {  	s7 =	smul.u32 @!p0 $0xF7A, s2;
	p2 =	seq.s32 @!p0 s5, $0x0  }
0x1f: {  	s9 =	smul.u32 $0xF7A, s1;
	s8 =	simm.s32 @!p0 $0x1BF5;
	p2 =	por !p2, p0  }
0x20: {  	[sflag:s8] =	ssyncset.s32 @!p0 $0xFFFFF086;
	s6 =	sadd.s32 @!p0 s3, s7;
	s7 =	simm.s32 @!p0 $0x108  }
0x21: {  	s3 =	sadd.s32 s3, s9;
	s6 =	sadd.s32 @!p0 $0x88, s6;
	s7 =	simm.s32 @p2 $0x1082  }
0x22: {  	[simem:s7], [sflag:s8] =	dma.local @!p0 [hbm:s6], $0xF7A  }
0x23: {  	s9 =	sor.u32 $0xD0000000, s2;
	s6 =	simm.s32 $0x108;
	_ =	swait.ge @!p0 [sflag:s8], $0x0  }
0x24: {  	s3 =	sadd.s32 $0x88, s3;
	s6 =	simm.s32 @!p1 $0x1082;
	[sflag:s4] =	ssyncset.s32 $0xFFFFF086  }
0x25: {  	[simem:s6], [sflag:s4] =	dma.local [hbm:s3], $0xF7A  }
0x26: {  	[smem:$0x3F99] =	sst s1;
	(tag) =	ssettag s2;
	_ =	strace s9  }
0x27: {  	s1 =	sld [smem:$0x3FA9]  }
0x28: {  	s2 =	sld [smem:$0x3FAA]  }
0x29: {  	s4 =	sld [smem:$0x3FAC]  }
0x2a: {  	p0 =	seq.s32 s5, $0x0;
	s5 =	sld [smem:$0x3FAD]  }
0x2b: {  	s6 =	sld [smem:$0x3FAE]  }
0x2c: {  	s7 =	sld [smem:$0x3FAF]  }
0x2d: {  	s3 =	simm.s32 $0x108;
	s8 =	sld [smem:$0x3FB0]  }
0x2e: {  	s3 =	simm.s32 @!p0 $0x1082;
	s9 =	sld [smem:$0x3FB1]  }
0x2f: {  	lr =	sadd.s32 s0, s3;
	s0 =	sld [smem:$0x3FA8]  }
0x30: {  	s3 =	sld [smem:$0x3FAB]  }
0x31: {  	[smem:$0x3FB4] =	sst s10  }
0x32: {  	s10 =	sld [smem:$0x3FB2];
	_ =	sdelay $0x3  }
0x33: {  	p0 =	seq.s32 s10, $0x1;
	s10 =	sld [smem:$0x3FB4];
	_ =	sdelay $0x3  }
0x34: {  	[smem:$0x3FB4] =	sst s10  }
0x35: {  	s10 =	sld [smem:$0x3FB3];
	_ =	sdelay $0x3  }
0x36: {  	p1 =	seq.s32 s10, $0x1;
	s10 =	sld [smem:$0x3FB4];
	_ =	sdelay $0x3  }
0x37: {  	[smem:$0x3FB4] =	sst s10  }
0x38: {  	s10 =	sld [smem:$0x3FB5]  }
0x39: {  	_ = 	snop;
	(pc) =	sbr.ind lr, $3  }
0x3a: {  	_ = 	snop  }
0x3b: {  	_ = 	snop  }
0x3c: {  	p2 =	seq.s32 s10, $0x1;
	s10 =	sld [smem:$0x3FB4]  }
0x3d: {  	_ =	shalt  }
0x3e: {  	_ =	shalt  }
0x3f: {  	_ =	shalt  }
0x40: {  	_ =	shalt  }
0x41: {  	_ =	shalt  }
0x42: {  	_ =	shalt  }
0x43: {  	_ =	shalt  }
0x44: {  	_ =	shalt  }
0x45: {  	_ =	shalt  }
0x46: {  	_ =	shalt  }
0x47: {  	_ =	shalt  }
0x48: {  	_ =	shalt  }
0x49: {  	_ =	shalt  }
0x4a: {  	_ =	shalt  }
0x4b: {  	_ =	shalt  }
0x4c: {  	_ =	shalt  }
0x4d: {  	_ =	shalt  }
0x4e: {  	_ =	shalt  }
0x4f: {  	_ =	shalt  }
0x50: {  	_ =	shalt  }
0x51: {  	_ =	shalt  }
0x52: {  	_ =	shalt  }
0x53: {  	_ =	shalt  }
0x54: {  	_ =	shalt  }
0x55: {  	_ =	shalt  }
0x56: {  	_ =	shalt  }
0x57: {  	_ =	shalt  }
0x58: {  	_ =	shalt  }
0x59: {  	_ =	shalt  }
0x5a: {  	_ =	shalt  }
0x5b: {  	_ =	shalt  }
0x5c: {  	_ =	shalt  }
0x5d: {  	_ =	shalt  }
0x5e: {  	_ =	shalt  }
0x5f: {  	_ =	shalt  }
0x60: {  	_ =	shalt  }
0x61: {  	_ =	shalt  }
0x62: {  	_ =	shalt  }
0x63: {  	_ =	shalt  }
0x64: {  	_ =	shalt  }
0x65: {  	_ =	shalt  }
0x66: {  	_ =	shalt  }
0x67: {  	_ =	shalt  }
0x68: {  	_ =	shalt  }
0x69: {  	_ =	shalt  }
0x6a: {  	_ =	shalt  }
0x6b: {  	_ =	shalt  }
0x6c: {  	_ =	shalt  }
0x6d: {  	_ =	shalt  }
0x6e: {  	_ =	shalt  }
0x6f: {  	_ =	shalt  }
0x70: {  	_ =	shalt  }
0x71: {  	_ =	shalt  }
0x72: {  	_ =	shalt  }
0x73: {  	_ =	shalt  }
0x74: {  	_ =	shalt  }
0x75: {  	_ =	shalt  }
0x76: {  	_ =	shalt  }
0x77: {  	_ =	shalt  }
0x78: {  	_ =	shalt  }
0x79: {  	_ =	shalt  }
0x7a: {  	_ =	shalt  }
0x7b: {  	_ =	shalt  }
0x7c: {  	_ =	shalt  }
0x7d: {  	_ =	shalt  }
0x7e: {  	_ =	shalt  }
0x7f: {  	_ =	shalt  }
0x80: {  	_ =	shalt  }
0x81: {  	_ =	shalt  }
0x82: {  	_ =	shalt  }
0x83: {  	_ =	shalt  }
0x84: {  	_ =	shalt  }
0x85: {  	_ =	shalt  }
0x86: {  	_ =	shalt  }
0x87: {  	_ =	shalt  }
.Lfunc_end0:
.L_simem_size_0:
called_computation.1_lowered:
.L_overlay_start_0:
0x88: {  	s2 =	sld [smem:$0x3FD9]  }
0x89: {  	s3 =	sld [smem:$0x3FFE];
	_ =	sdelay $0x1  }
0x8a: {  	s1 =	srdreg.scid  }
0x8b: {  	s0 =	sand.u32 $0x1, s1  }
0x8c: {  	s17 =	sshll.u32 s0, $0xA;
	s2 =	sadd.s32 s3, s2  }
0x8d: {  	s2 =	sadd.s32 s2, s17  }
0x8e: {  	[smem:$0x3FC0] =	sst s2  }
0x8f: {  	_ = 	snop  }
0x90: {  	s2 =	sld [smem:$0x3FD0];
	(tm) =	ssettm $0x1  }
0x91: {  	s18 =	sld [smem:$0x3FFB];
	_ =	sdelay $0x3  }
0x92: {  	_ =	strace s18  }
0x93: {  	s3 =	sld [smem:$0x3FFC];
	_ =	sdelay $0x3  }
0x94: {  	_ =	strace s3  }
0x95: {  	s3 =	sld [smem:$0x3FFD];
	_ =	sdelay $0x3  }
0x96: {  	_ =	strace s3  }
0x97: {  	_ =	strace $0x8FFFFFFF  }
0x98: {  	s19 =	sld [smem:$0x3FDB];
	_ =	sdelay $0x1  }
0x99: {  	s4 =	simm.s32 $_scs_section_size  }
0x9a: {  	s5 =	simm.s32 $_size__tile_overlayer_lowered;
	s6 =	simm.s32 $_tile_overlayer_lowered  }
0x9b: {  	s22 =	simm.s32 $0x1BFF;
	s21 =	sshll.u32 s6, $0x1;
	s3 =	sadd.s32 s4, s19  }
0x9c: {  	s7 =	simm.s32 $0x0;
	s20 =	sshll.u32 s5, $0x1;
	s5 =	sadd.s32 s21, s3  }
0x9d: {  	[timem:s7], [sflag:s22] =	dma.local [hbm:s5], s20  }
0x9e: {  	_ =	swait.ge [sflag:s22], s20  }
0x9f: {  	s4 =	ssub.s32 $0x0, s20;
	[sflag:s22] =	ssyncset.done $0x0  }
0xa0: {  	[sflag:s22] =	ssyncadd.s32 s4;
	_ =	sdelay $0x1  }
0xa1: {  	s23 =	simm.s32 $0x1B8B  }
0xa2: {  	_ =	swait.ge [sflag:s23], $0x1  }
0xa3: {  	[sflag:s23] =	ssyncset.done $0x0  }
0xa4: {  	s25 =	simm.s32 $0x1B8E;
	s24 =	sld [smem:$0x3FFE];
	[sflag:s23] =	ssyncadd.s32 $0xFFFFFFFF  }
0xa5: {  	s26 =	simm.s32 $execute0_lowered;
	[smem:$0x3FD2] =	sst s25  }
0xa6: {  	s5 =	sshll.u32 s26, $0x1;
	_ =	strace $0x80000049;
	[dreg:$0x1] =	wrdreg $0xFFFFFFFF  }
0xa7: {  	s28 =	simm.s32 $_size_execute0_lowered;
	s3 =	sadd.s32 s3, s5;
	[dreg:$0x0] =	wrdreg $0x0  }
0xa8: {  	s5 =	sshll.u32 s28, $0x1;
	[dreg:$0x2] =	wrdreg s3  }
0xa9: {  	[dreg:$0x3] =	wrdreg s5  }
0xaa: {  	[dreg:$0x4] =	wrdreg $0xC0  }
0xab: {  	_ =	task [dreg:s7], $0x5FFFF  }
0xac: {  	[dreg:$0x1] =	wrdreg $0xFFFFFFFF  }
0xad: {  	[dreg:$0x0] =	wrdreg $0x60  }
0xae: {  	[dreg:$0x2] =	wrdreg s24  }
0xaf: {  	[dreg:$0x3] =	wrdreg s2  }
0xb0: {  	[dreg:$0x4] =	wrdreg $0x91000  }
0xb1: {  	[dreg:$0x5] =	wrdreg $0x9  }
0xb2: {  	_ =	task.clear_ibuf [dreg:s7], $0x6FFFF;
	_ =	strace $0x90000049  }
0xb3: {  	s29 =	simm.s32 $0x9;
	_ =	strace $0x8000004B  }
0xb4: {  	_ =	swait.ge [sflag:s29], $0x1  }
0xb5: {  	[sflag:s29] =	ssyncadd.s32 $0xFFFFFFFF  }
0xb6: {  	_ =	strace $0x9000004B  }
0xb7: {  	_ =	sfence  }
0xb8: {  	s30 =	sld [smem:$0x0];
	_ =	sdelay $0x2  }
0xb9: {  	s31 =	sshll.u32 s1, $0xD;
	s1 =	sshrl.u32 s1, $0x2  }
0xba: {  	s3 =	sand.u32 $0x4000, s31;
	s1 =	sadd.s32 s1, s30  }
0xbb: {  	s0 =	sor.u32 s3, s0;
	s1 =	sshll.u32 s1, $0x11  }
0xbc: {  	s0 =	sor.u32 s1, s0  }
0xbd: {  	s0 =	sadd.s32 $0x8F2B, s0  }
0xbe: {  	[sflag:s0] =	ssyncadd.remote.s32 $0x1  }
0xbf: {  	_ =	sfence.sel $0xFFFF  }
0xc0: {  	[dreg:$0x0] =	wrdreg $0xFFFFFFFF;
	(pc) =	sbr.abs _section_cstart, $3  }
0xc1: {  	[dreg:$0x1] =	wrdreg $0xFFFFFFFF  }
0xc2: {  	_ =	task.clear_ibuf [dreg:s7], $0x2FFFF;
	_ =	strace $0x9FFFFFFF  }
0xc3: {  	(tm) =	ssettm $0x7FFFFFFF  }
tec
execute0_lowered:
.L_overlay_start_1:
0x0: {  	(tag) =	ssettag $0x1  }
0x1: {  	s0 =	rddreg [dreg:$0x0]  }
0x2: {  	s2 =	rddreg [dreg:$0x1]  }
0x3: {  	s1 =	srdreg.scid;
	s3 =	rddreg [dreg:$0x2]  }
0x4: {  	s12 =	stileid.u32;
	s4 =	simm.s32 $0x0;
	s18 =	simm.s32 $0x100  }
0x5: {  	s19 =	simm.s32 $0x8;
	s20 =	simm.s32 $0x50;
	s21 =	simm.s32 $0x4100  }
0x6: {  	s28 =	simm.s32 $0x3;
	s29 =	simm.s32 $0x5;
	s30 =	simm.s32 $0x2  }
0x7: {  	s31 =	simm.s32 $0x0;
	s1 =	sand.u32 $0x1, s1;
	s8 =	smul.u32 $0x14000, s12  }
0x8: {  	s5 =	sshll.u32 s12, $0xF;
	[smem:$0x7FF] =	sst s4;
	s22 =	smul.u32 $0x50000, s12  }
0x9: {  	s10 =	sadd.s32 $0x3A400, s0;
	s6 =	sshll.u32 s1, $0xE;
	s7 =	smul.u32 $0x140000, s1  }
0xa: {  	_ =	strace $0x8000004A;
	s1 =	ssub.s32 $0x2, s1;
	[dreg:$0x4] =	wrdreg s10  }
0xb: {  	s5 =	sor.u32 s6, s5;
	s6 =	sadd.s32 $0x12400, s0;
	s23 =	sshrl.u32 s1, $0x1  }
0xc: {  	s24 =	sshrl.u32 s22, $0x2;
	s22 =	simm.s32 $0x80;
	s9 =	sshrl.u32 s5, $0x3  }
0xd: {  	s7 =	sadd.s32 s8, s7;
	s1 =	ssub.s32 s1, s23;
	s8 =	sshll.u32 s12, $0x6  }
0xe: {  	s23 =	simm.s32 $0x7;
	s11 =	sadd.s32 s9, s0;
	s7 =	sshrl.u32 s7, $0x3  }
0xf: {  	s9 =	sadd.s32 s2, s9;
	s25 =	sor.u32 $0x1C07, s8;
	s14 =	smax.u32 s1, $0x1  }
.Ltmp0:
0x10: {  	s0 =	sadd.s32 s7, s0;
	s7 =	sadd.s32 s24, s3;
	(pc) =	sbr.rel .LBB2_1-.Ltmp0, $4  }
0x11: {  	[dreg:$0x5] =	wrdreg s25;
	s26 =	sadd.s32 $0x2400, s11;
	s12 =	sadd.s32 $0x10, s9  }
0x12: {  	s15 =	sadd.s32 $0x20, s9;
	s16 =	sadd.s32 $0x30, s9;
	s24 =	simm.s32 $0x6  }
0x13: {  	s25 =	simm.s32 $0x6900;
	[dreg:$0x6] =	wrdreg s26;
	s13 =	sadd.s32 $0x3CC00, s0  }
0x14: {  	s17 =	sshrl.u32 s7, $0x3;
	s26 =	simm.s32 $0x1;
	s0 =	simm.s32 $0x4  }
.LBB2_4:
0x15: {  	[spmem:s3] =	stream.indirect.scatter.add.f32 [tilespmem:s25], [sflag:$0x4], $0x80, s1, s20, $0xb8;
	[tilespmem:$0x1D100] =	vst v63  }
0x16: {  	_ =	swait.ge [sflag:s0], $0x2800  }
0x17: {  	[sflag:s0] =	ssyncset.done $0x0  }
0x18: {  	[sflag:s0] =	ssyncadd.s32 $0xFFFFD800  }
0x19: {  	_ =	swait.ge [sflag:s26], $0x2800  }
0x1a: {  	[sflag:s26] =	ssyncset.done $0x0  }
0x1b: {  	s10 =	simm.s32 $0x3F00;
	[sflag:s26] =	ssyncadd.s32 $0xFFFFD800  }
0x1c: {  	[spmem:s3] =	stream.indirect.scatter.add.f32 [tilespmem:s21], [sflag:$0x8], $0x80, s10, s20, $0xb8;
	[tilespmem:$0x1D100] =	vst v63  }
0x1d: {  	_ =	swait.ge [sflag:s19], $0x2800  }
0x1e: {  	s31 =	sadd.s32 $0x1, s31;
	[sflag:s19] =	ssyncset.done $0x0  }
0x1f: {  	p0 =	sne.s32 s31, s14;
	[sflag:s19] =	ssyncadd.s32 $0xFFFFD800  }
.Ltmp1:
0x20: {  	s11 =	sor.u32 $0x1C08, s8;
	[bflag:$0x0] =	sbarrier.arrive $0xFFFF;
	(pc) =	sbr.rel @!p0 .LBB2_5-.Ltmp1, $4  }
0x21: {  	[hbm:s13], [sflag:s11] =	dma.local [spmem:s17], $0x2800  }
0x22: {  	_ =	swait.ge [sflag:s19], $0x2800  }
0x23: {  	[sflag:s19] =	ssyncset.done $0x0  }
0x24: {  	[sflag:s19] =	ssyncadd.s32 $0xFFFFD800  }
.LBB2_1:
0x25: {  	s1 =	rddreg [dreg:$0x4]  }
0x26: {  	s7 =	rddreg [dreg:$0x5]  }
0x27: {  	[spmem:s17], [sflag:s7] =	dma.local [hbm:s1], $0x2800  }
0x28: {  	s1 =	rddreg [dreg:$0x6]  }
0x29: {  	[tilespmem:s18], [sflag:$0x8] =	stream.linear.gather [hbm4b:s1+s4], $0x3E80, $0x38;
	[tilespmem:$0x1D100] =	vst v63  }
0x2a: {  	_ =	swait.ge [sflag:s19], $0x3E80  }
0x2b: {  	[sflag:s19] =	ssyncset.done $0x0  }
0x2c: {  	[sflag:s19] =	ssyncadd.s32 $0xFFFFC180  }
0x2d: {  	[tilespmem:s4], [sflag:$0x8] =	stream.linear.gather [hbm4b:s9+s4], $0x80, $0x38;
	[tilespmem:$0x1D100] =	vst v63  }
0x2e: {  	_ =	swait.ge [sflag:s19], $0x80  }
0x2f: {  	[sflag:s19] =	ssyncset.done $0x0  }
0x30: {  	[sflag:s19] =	ssyncadd.s32 $0xFFFFFF80  }
0x31: {  	[tilespmem:s21], [sflag:$0x1] =	stream.indirect.gather [hbm4b:s6+s20], $0x80, s4, s20, $0xb8;
	[tilespmem:$0x1D100] =	vst v63  }
0x32: {  	_ = 	snop  }
0x33: {  	[tilespmem:s22], [sflag:$0x6] =	stream.linear.gather [hbm4b:s12+s4], $0x80, $0x38;
	[tilespmem:$0x1D100] =	vst v63  }
0x34: {  	_ =	swait.ge [sflag:s23], $0x2800  }
0x35: {  	[sflag:s23] =	ssyncset.done $0x0  }
0x36: {  	[sflag:s23] =	ssyncadd.s32 $0xFFFFD800  }
0x37: {  	[bflag:$0x0] =	sbarrier.arrive $0xFFFF  }
0x38: {  	_ =	swait.ge [sflag:s24], $0x80  }
0x39: {  	[sflag:s24] =	ssyncset.done $0x0  }
0x3a: {  	[sflag:s24] =	ssyncadd.s32 $0xFFFFFF80  }
0x3b: {  	[tilespmem:s25], [sflag:$0x2] =	stream.indirect.gather [hbm4b:s6+s20], $0x80, s22, s20, $0xb8;
	[tilespmem:$0x1D100] =	vst v63  }
0x3c: {  	_ =	swait.ge [sflag:s26], $0x2800  }
0x3d: {  	[sflag:s26] =	ssyncset.done $0x0  }
0x3e: {  	[sflag:s26] =	ssyncadd.s32 $0xFFFFD800  }
0x3f: {  	[tilespmem:s4], [sflag:$0x5] =	stream.linear.gather [hbm4b:s15+s4], $0x80, $0x38;
	[tilespmem:$0x1D100] =	vst v63  }
0x40: {  	_ = 	snop  }
0x41: {  	[spmem:s3] =	stream.indirect.scatter.add.f32 [tilespmem:s21], [sflag:$0x3], $0x80, s18, s20, $0xb8;
	[tilespmem:$0x1D100] =	vst v63  }
0x42: {  	_ =	swait.ge [sflag:s28], $0x2800  }
0x43: {  	[sflag:s28] =	ssyncset.done $0x0  }
0x44: {  	[sflag:s28] =	ssyncadd.s32 $0xFFFFD800  }
0x45: {  	_ =	swait.ge [sflag:s29], $0x80  }
0x46: {  	[sflag:s29] =	ssyncset.done $0x0  }
0x47: {  	[sflag:s29] =	ssyncadd.s32 $0xFFFFFF80  }
0x48: {  	[tilespmem:s21], [sflag:$0x1] =	stream.indirect.gather [hbm4b:s6+s20], $0x80, s4, s20, $0xb8;
	[tilespmem:$0x1D100] =	vst v63  }
0x49: {  	_ =	swait.ge [sflag:s30], $0x2800  }
0x4a: {  	[sflag:s30] =	ssyncset.done $0x0  }
0x4b: {  	[sflag:s30] =	ssyncadd.s32 $0xFFFFD800  }
0x4c: {  	[tilespmem:s22], [sflag:$0x6] =	stream.linear.gather [hbm4b:s16+s4], $0x80, $0x38;
	[tilespmem:$0x1D100] =	vst v63  }
0x4d: {  	s11 =	simm.s32 $0x180;
	s7 =	simm.s32 $0x280;
	s1 =	simm.s32 $0x280  }
0x4e: {  	[spmem:s3] =	stream.indirect.scatter.add.f32 [tilespmem:s25], [sflag:$0x4], $0x80, s11, s20, $0xb8;
	[tilespmem:$0x1D100] =	vst v63  }
.LBB2_2:
0x4f: {  	_ =	swait.ge [sflag:s0], $0x2800  }
0x50: {  	[sflag:s0] =	ssyncset.done $0x0  }
0x51: {  	[sflag:s0] =	ssyncadd.s32 $0xFFFFD800  }
0x52: {  	s10 =	sadd.s32 $0xFFFFFF80, s7;
	_ =	swait.ge [sflag:s24], $0x80  }
0x53: {  	s11 =	sand.u32 $0x7C00, s10;
	[sflag:s24] =	ssyncset.done $0x0  }
0x54: {  	s10 =	sand.u32 $0x300, s10;
	s11 =	sadd.s32 s5, s11;
	[sflag:s24] =	ssyncadd.s32 $0xFFFFFF80  }
0x55: {  	[tilespmem:s25], [sflag:$0x2] =	stream.indirect.gather [hbm4b:s6+s20], $0x80, s22, s20, $0xb8;
	[tilespmem:$0x1D100] =	vst v63  }
0x56: {  	s10 =	sor.u32 s10, s11;
	_ =	swait.ge [sflag:s26], $0x2800  }
0x57: {  	s10 =	sshrl.u32 s10, $0x3;
	[sflag:s26] =	ssyncset.done $0x0  }
0x58: {  	s10 =	sadd.s32 s2, s10;
	[sflag:s26] =	ssyncadd.s32 $0xFFFFD800  }
0x59: {  	[tilespmem:s4], [sflag:$0x5] =	stream.linear.gather [hbm4b:s10+s4], $0x80, $0x38;
	[tilespmem:$0x1D100] =	vst v63  }
0x5a: {  	s11 =	sadd.s32 $0xFFFFFF80, s1  }
0x5b: {  	[spmem:s3] =	stream.indirect.scatter.add.f32 [tilespmem:s21], [sflag:$0x3], $0x80, s11, s20, $0xb8;
	[tilespmem:$0x1D100] =	vst v63  }
0x5c: {  	_ =	swait.ge [sflag:s28], $0x2800  }
0x5d: {  	[sflag:s28] =	ssyncset.done $0x0  }
0x5e: {  	[sflag:s28] =	ssyncadd.s32 $0xFFFFD800  }
0x5f: {  	_ =	swait.ge [sflag:s29], $0x80  }
0x60: {  	p0 =	seq.s32 s7, $0x3E80;
	[sflag:s29] =	ssyncset.done $0x0  }
.Ltmp2:
0x61: {  	[sflag:s29] =	ssyncadd.s32 $0xFFFFFF80;
	(pc) =	sbr.rel @p0 .LBB2_4-.Ltmp2, $4  }
0x62: {  	[tilespmem:s21], [sflag:$0x1] =	stream.indirect.gather [hbm4b:s6+s20], $0x80, s4, s20, $0xb8;
	[tilespmem:$0x1D100] =	vst v63  }
0x63: {  	_ =	swait.ge [sflag:s30], $0x2800  }
0x64: {  	[sflag:s30] =	ssyncset.done $0x0  }
0x65: {  	[sflag:s30] =	ssyncadd.s32 $0xFFFFD800  }
0x66: {  	s10 =	sand.u32 $0x7C00, s7  }
0x67: {  	s11 =	sand.u32 $0x380, s7;
	s10 =	sadd.s32 s5, s10  }
0x68: {  	s10 =	sor.u32 s11, s10  }
0x69: {  	s10 =	sshrl.u32 s10, $0x3  }
.Ltmp3:
0x6a: {  	s10 =	sadd.s32 s2, s10;
	(pc) =	sbr.rel .LBB2_2-.Ltmp3, $4  }
0x6b: {  	[tilespmem:s22], [sflag:$0x6] =	stream.linear.gather [hbm4b:s10+s4], $0x80, $0x38;
	[tilespmem:$0x1D100] =	vst v63  }
0x6c: {  	_ = 	snop  }
0x6d: {  	[spmem:s3] =	stream.indirect.scatter.add.f32 [tilespmem:s25], [sflag:$0x4], $0x80, s1, s20, $0xb8;
	[tilespmem:$0x1D100] =	vst v63  }
0x6e: {  	s7 =	sadd.s32 $0x100, s7;
	s1 =	sadd.s32 $0x100, s1  }
.LBB2_5:
0x6f: {  	_ =	sfence.sel $0x180000  }
0x70: {  	[bflag:$0x0] =	sbarrier.arrive $0xFFFF  }
0x71: {  	_ =	strace $0x9000004A  }
0x72: {  	s0 =	stileid.u32;
	[bflag:$0x2] =	sbarrier.arrive $0xFFFF  }
0x73: {  	p0 =	sne.s32 s0, $0x0;
	s0 =	rddreg [dreg:$0x3]  }
0x74: {  	s0 =	sadd.s32 @!p0 $0x100000, s0  }
0x75: {  	[sflag:s0] =	ssyncadd.tile.s32 @!p0 $0x1;
	_ =	shalt  }
.Lfunc_end2:
_tile_overlayer_lowered:
.L_overlay_start_2:
0x76: {  	(tag) =	ssettag $0x2  }
0x77: {  	s0 =	rddreg [dreg:$0x0];
	s2 =	stileid.u32  }
0x78: {  	s1 =	rddreg [dreg:$0x1];
	p0 =	sne.s32 s2, $0x0  }
0x79: {  	s3 =	rddreg [dreg:$0x2];
	[bflag:$0x3] =	sbarrier.arrive $0xFFFF;
	s2 =	simm.s32 @!p0 $0x1C08  }
0x7a: {  	[timem:s3], [sflag:s2] =	dma.local @!p0 [hbm:s0], s1  }
0x7b: {  	s0 =	simm.s32 @!p0 $0x8  }
0x7c: {  	_ =	swait.ge @!p0 [sflag:s0], s1  }
0x7d: {  	s1 =	ssub.s32 @!p0 $0x0, s1;
	[sflag:s0] =	ssyncset.done @!p0 $0x0  }
0x7e: {  	[sflag:s0] =	ssyncadd.s32 @!p0 s1  }
0x7f: {  	[bflag:$0x3] =	sbarrier.arrive $0xFFFF  }
0x80: {  	_ =	shalt  }

</sc_bundles>
